<compile_context>
chip_gen: v7x
topology: tpu7x:2x2x1
jax: 0.10.2.dev20260603
libtpu: 0.0.44.dev20260713+nightly
codegen_flags: <defaults>
</compile_context>

<pallas_src>
import functools

import jax
import jax.numpy as jnp
from jax import lax
from jax.experimental import pallas as pl
from jax.experimental.pallas import tpu as pltpu
from jax.experimental.pallas import tpu_sc as plsc

N, D_IN, H, D_OUT, E, K = 4096, 1024, 1024, 1024, 8, 2
NK = N * K
BM = 256
T = NK // BM + E
S = T * BM
NC, NS = 2, 16
NW = NC * NS
CHUNK = NK // NW
RROWS = 64
RND = CHUNK // RROWS
DW = D_IN // 2


def _leaky(x, slope=0.01):
    return jnp.where(x >= 0, x, slope * x)



def _shift_down(x, s):
    return jnp.concatenate([jnp.zeros((s,) + x.shape[1:], x.dtype), x[:-s]], 0)


def _router_body(x_ref, rW1_ref, rb1_ref, rW2_ref, rb2_ref,
                 w_ref, ei_ref, rank_ref, cnt_ref, base_ref):
    @pl.when(pl.program_id(0) == 0)
    def _():
        base_ref[...] = jnp.zeros((1, E), jnp.int32)

    xb = x_ref[...]
    h = jnp.dot(xb, rW1_ref[...], preferred_element_type=jnp.float32)
    h = _leaky(h + rb1_ref[...])
    logits = jnp.dot(h, rW2_ref[...], preferred_element_type=jnp.float32)
    logits = logits + rb2_ref[...]

    bm = logits.shape[0]
    ids = lax.broadcasted_iota(jnp.int32, (bm, E), 1)
    m1 = jnp.max(logits, axis=1, keepdims=True)
    i1 = jnp.min(jnp.where(logits == m1, ids, E), axis=1, keepdims=True)
    masked = jnp.where(ids == i1, -jnp.inf, logits)
    m2 = jnp.max(masked, axis=1, keepdims=True)
    i2 = jnp.min(jnp.where(masked == m2, ids, E), axis=1, keepdims=True)
    e2 = jnp.exp(m2 - m1)
    p1 = 1.0 / (1.0 + e2)
    p2 = e2 / (1.0 + e2)
    w_ref[...] = jnp.concatenate([p1, p2], axis=1)
    ei_ref[...] = jnp.concatenate([i1, i2], axis=1)

    oh0 = (ids == i1).astype(jnp.int32)
    oh1 = (ids == i2).astype(jnp.int32)
    both = oh0 + oh1
    incl = both
    sft = 1
    while sft < bm:
        incl = incl + _shift_down(incl, sft)
        sft *= 2
    cum = incl - both
    base = base_ref[...]
    rank0 = jnp.sum(oh0 * (cum + base), axis=1, keepdims=True)
    rank1 = jnp.sum(oh1 * (cum + oh0 + base), axis=1, keepdims=True)
    rank_ref[...] = jnp.concatenate([rank0, rank1], axis=1)
    new_base = base + jnp.sum(both, axis=0, keepdims=True)
    base_ref[...] = new_base
    cnt_ref[...] = new_base


def _router(x, rW1, rb1, rW2, rb2):
    bm = 256
    return pl.pallas_call(
        _router_body,
        grid=(N // bm,),
        in_specs=[
            pl.BlockSpec((bm, D_IN), lambda i: (i, 0)),
            pl.BlockSpec((D_IN, H), lambda i: (0, 0)),
            pl.BlockSpec((1, H), lambda i: (0, 0)),
            pl.BlockSpec((H, E), lambda i: (0, 0)),
            pl.BlockSpec((1, E), lambda i: (0, 0)),
        ],
        out_specs=[
            pl.BlockSpec((bm, K), lambda i: (i, 0)),
            pl.BlockSpec((bm, K), lambda i: (i, 0)),
            pl.BlockSpec((bm, K), lambda i: (i, 0)),
            pl.BlockSpec((1, E), lambda i: (0, 0)),
        ],
        out_shape=[
            jax.ShapeDtypeStruct((N, K), jnp.float32),
            jax.ShapeDtypeStruct((N, K), jnp.int32),
            jax.ShapeDtypeStruct((N, K), jnp.int32),
            jax.ShapeDtypeStruct((1, E), jnp.int32),
        ],
        scratch_shapes=[pltpu.VMEM((1, E), jnp.int32)],
    )(x, rW1, rb1.reshape(1, H), rW2, rb2.reshape(1, E))



def _iota16():
    return lax.iota(jnp.int32, 16)


def _ci(v):
    return jnp.full((16,), v, jnp.int32)


def _dispatch_body(slot_hbm, x_hbm, xg_hbm, sidx_v, tok_v,
                   rows_a, rows_b, gs_a, gs_b, ss_a, ss_b):
    c = lax.axis_index("c")
    s = lax.axis_index("s")
    wid = s * NC + c
    base_i = wid * CHUNK
    iot = _iota16()

    for r in range(RND):
        pltpu.sync_copy(slot_hbm.at[pl.ds(base_i + r * RROWS, RROWS)],
                        sidx_v.at[r, 0])
    for jj in range(CHUNK // 16):
        item = jnp.broadcast_to(base_i + jj * 16, (16,)) + iot
        tok_v[pl.ds(jj * 16, 16)] = lax.shift_right_logical(item, _ci(1))

    bufs = (rows_a, rows_b)
    gsems = (gs_a, gs_b)
    ssems = (ss_a, ss_b)
    gathers = [None] * RND
    scatters = [None] * RND
    gathers[0] = pltpu.async_copy(
        x_hbm.at[tok_v.at[pl.ds(0, RROWS)]], bufs[0], gsems[0])
    for r in range(RND):
        gathers[r].wait()
        if r >= 1:
            scatters[r - 1].wait()
        if r + 1 < RND:
            gathers[r + 1] = pltpu.async_copy(
                x_hbm.at[tok_v.at[pl.ds((r + 1) * RROWS, RROWS)]],
                bufs[(r + 1) % 2], gsems[(r + 1) % 2])
        scatters[r] = pltpu.async_copy(
            bufs[r % 2], xg_hbm.at[sidx_v.at[r, 0]], ssems[r % 2])
    scatters[RND - 1].wait()


def _dispatch(slot, x_i32):
    mesh = plsc.VectorSubcoreMesh(core_axis_name="c", subcore_axis_name="s")
    fn = functools.partial(
        pl.kernel,
        mesh=mesh,
        out_type=jax.ShapeDtypeStruct((S, DW), jnp.int32),
        scratch_types=[
            pltpu.VMEM((RND, 1, RROWS), jnp.int32),
            pltpu.VMEM((CHUNK,), jnp.int32),
            pltpu.VMEM((RROWS, DW), jnp.int32),
            pltpu.VMEM((RROWS, DW), jnp.int32),
            pltpu.SemaphoreType.DMA,
            pltpu.SemaphoreType.DMA,
            pltpu.SemaphoreType.DMA,
            pltpu.SemaphoreType.DMA,
        ],
    )(_dispatch_body)
    return fn(slot, x_i32)



def _gmm_body(te_ref, xg_ref, eW_ref, eb_ref, y_ref):
    acc = jnp.dot(xg_ref[...], eW_ref[0], preferred_element_type=jnp.float32)
    y_ref[...] = (acc + eb_ref[0]).astype(jnp.bfloat16)


def _grouped_matmul(xg, eW_bf, eb, tile_expert):
    grid_spec = pltpu.PrefetchScalarGridSpec(
        num_scalar_prefetch=1,
        grid=(T,),
        in_specs=[
            pl.BlockSpec((BM, D_IN), lambda t, te: (t, 0)),
            pl.BlockSpec((1, D_IN, D_OUT), lambda t, te: (te[t], 0, 0)),
            pl.BlockSpec((1, 1, D_OUT), lambda t, te: (te[t], 0, 0)),
        ],
        out_specs=pl.BlockSpec((BM, D_OUT), lambda t, te: (t, 0)),
    )
    return pl.pallas_call(
        _gmm_body,
        grid_spec=grid_spec,
        out_shape=jax.ShapeDtypeStruct((S, D_OUT), jnp.bfloat16),
    )(tile_expert, xg, eW_bf, eb.reshape(E, 1, D_OUT))


@jax.jit
def kernel(x, rW1, rb1, rW2, rb2, eW, eb):
    w, ei, rank, cnt = _router(x, rW1, rb1, rW2, rb2)
    counts = cnt[0]
    tiles_per_e = (counts + BM - 1) // BM
    tcum = jnp.cumsum(tiles_per_e)
    slot_start = (tcum - tiles_per_e) * BM
    flat_e = ei.reshape(-1)
    slot = jnp.take(slot_start, flat_e) + rank.reshape(-1)
    tile_expert = jnp.minimum(
        jnp.searchsorted(tcum, jnp.arange(T, dtype=jnp.int32),
                         side='right').astype(jnp.int32), E - 1)
    x_i32 = lax.bitcast_convert_type(
        x.astype(jnp.bfloat16).reshape(N, DW, 2), jnp.int32)
    xg_i32 = _dispatch(slot, x_i32)
    xg = lax.bitcast_convert_type(xg_i32, jnp.bfloat16).reshape(S, D_IN)
    eW_bf = eW.astype(jnp.bfloat16)
    y = _grouped_matmul(xg, eW_bf, eb, tile_expert)
    ts = slot.reshape(N, K)
    out = _leaky(w[:, 0:1] * jnp.take(y, ts[:, 0], axis=0)
                 + w[:, 1:2] * jnp.take(y, ts[:, 1], axis=0))
    return out

# --- scband reference (transcript-rebuilt; emitter-appended) ---
"""Pipeline reference for scband-top-kmo-e-75419625718366 (READ-ONLY COPY).

The authoritative reference and input builder live on the scoring server;
editing this copy changes nothing except your own understanding.
"""

import jax, jax.numpy as jnp
import numpy as np

N, D_IN, H, D_OUT, E, K = 4096, 1024, 1024, 1024, 8, 2

def leaky_relu(x, slope=0.01):
    return jnp.where(x >= 0, x, slope * x)

def setup_inputs(seed: int = 0) -> dict:
    key = jax.random.key(seed)
    ks = jax.random.split(key, 6)
    x = jax.random.normal(ks[0], (N, D_IN), dtype=jnp.float32)
    # Router MLP: build_mlp([1024, 1024, E]) -> Linear(1024,1024), LeakyReLU, Linear(1024,E)
    rW1 = jax.random.normal(ks[1], (D_IN, H), dtype=jnp.float32) * np.sqrt(2.0 / H)
    rb1 = jnp.zeros((H,), dtype=jnp.float32)
    rW2 = jax.random.normal(ks[2], (H, E), dtype=jnp.float32) * np.sqrt(2.0 / E)
    rb2 = jnp.zeros((E,), dtype=jnp.float32)
    # Experts: E x Linear(D_IN, D_OUT), stacked
    eW = jax.random.normal(ks[3], (E, D_IN, D_OUT), dtype=jnp.float32) * np.sqrt(1.0 / D_IN)
    eb = jax.random.normal(ks[4], (E, D_OUT), dtype=jnp.float32) * 0.01
    return {"x": x, "rW1": rW1, "rb1": rb1, "rW2": rW2, "rb2": rb2, "eW": eW, "eb": eb}

def reference(x, rW1, rb1, rW2, rb2, eW, eb):
    # TopKRouter.forward
    h = leaky_relu(x @ rW1 + rb1)
    logits = h @ rW2 + rb2                       # [N, E]
    top_logits, indices = jax.lax.top_k(logits, K)  # [N, K] each
    probs = jax.nn.softmax(top_logits, axis=-1)     # [N, K]
    # expert_fusion: compute ALL experts densely, then gather selected
    expert_outputs = jnp.einsum('nd,edo->noe', x, eW) + jnp.transpose(eb)  # [N, D_OUT, E]
    expanded = jnp.broadcast_to(indices[:, None, :], (x.shape[0], expert_outputs.shape[1], K))
    selected = jnp.take_along_axis(expert_outputs, expanded, axis=-1)      # [N, D_OUT, K]
    # AdditionMixer (intended semantics): weighted sum over selected experts
    out = jnp.einsum('nok,nk->no', selected, probs)  # [N, D_OUT]
    return leaky_relu(out)

if __name__ == "__main__":
    import jax
    _d = setup_inputs()
    print(jax.jit(kernel)(*tuple(_d.values())))

</pallas_src>

<mosaic_0001>
#map = affine_map<(d0, d1) -> (0)>
#map1 = affine_map<(d0, d1) -> (0, 0)>
module attributes {stable_mosaic.version = 14 : i64} {
  func.func @_dispatch_body(%arg0: i32, %arg1: i32, %arg2: memref<8192xi32, #tpu.memory_space<hbm>>, %arg3: memref<4096x512xi32, #tpu.memory_space<hbm>>, %arg4: memref<10240x512xi32, #tpu.memory_space<hbm>>, %arg5: memref<4x1x64xi32, #tpu.memory_space<vmem>>, %arg6: memref<256xi32, #tpu.memory_space<vmem>>, %arg7: memref<64x512xi32, #tpu.memory_space<vmem>>, %arg8: memref<64x512xi32, #tpu.memory_space<vmem>>, %arg9: memref<!tpu.dma_semaphore, #tpu.memory_space<semaphore_mem>>, %arg10: memref<!tpu.dma_semaphore, #tpu.memory_space<semaphore_mem>>, %arg11: memref<!tpu.dma_semaphore, #tpu.memory_space<semaphore_mem>>, %arg12: memref<!tpu.dma_semaphore, #tpu.memory_space<semaphore_mem>>) attributes {dimension_semantics = [#tpu.dimension_semantics<core_parallel>, #tpu.dimension_semantics<subcore_parallel>], iteration_bounds = array<i64: 2, 16>, scalar_prefetch = 0 : i64, scratch_operands = 8 : i64, tpu.core_type = #tpu.core_type<sc_vector_subcore>, window_params = [{transform_indices = #map}, {transform_indices = #map1}, {transform_indices = #map1}]} {
    %mul3A = arith.constant 2 : i32
    %mul3A_0 = arith.muli %arg1, %mul3A : i32
    %add3A = arith.addi %mul3A_0, %arg0 : i32
    %mul3A_1 = arith.constant 256 : i32
    %mul3A_2 = arith.muli %add3A, %mul3A_1 : i32
    %iota3A = tpu.iota {dimensions = array<i32: 0>} : vector<16xi32>
    %add3A_3 = arith.constant 0 : i32
    %add3A_4 = arith.addi %mul3A_2, %add3A_3 : i32
    %run_scoped3A = arith.constant 0 : i32
    %run_scoped3A_5 = arith.constant 0 : i32
    "tpu.region"() ({
      %run_scoped3A_293 = tpu.sem_alloc : memref<!tpu.dma_semaphore, #tpu.memory_space<semaphore_mem>>
      %dma_start3A_294 = arith.constant 0 : i32
      %dma_start3A_295 = tpu.memref_slice %arg5[%run_scoped3A, %run_scoped3A_5, %dma_start3A_294] : memref<4x1x64xi32, #tpu.memory_space<vmem>> -> memref<1x1x64xi32, #tpu.memory_space<vmem>>
      %dma_start3A_296 = tpu.memref_squeeze %dma_start3A_295 : memref<1x1x64xi32, #tpu.memory_space<vmem>> -> memref<64xi32, #tpu.memory_space<vmem>>
      %dma_start3A_297 = tpu.memref_slice %arg2[%add3A_4] : memref<8192xi32, #tpu.memory_space<hbm>> -> memref<64xi32, #tpu.memory_space<hbm>>
      %dma_start3A_298 = arith.constant 0 : i32
      %dma_start3A_299 = tpu.memref_slice %arg5[%run_scoped3A, %run_scoped3A_5, %dma_start3A_298] : memref<4x1x64xi32, #tpu.memory_space<vmem>> -> memref<1x1x64xi32, #tpu.memory_space<vmem>>
      %dma_start3A_300 = tpu.memref_squeeze %dma_start3A_299 : memref<1x1x64xi32, #tpu.memory_space<vmem>> -> memref<64xi32, #tpu.memory_space<vmem>>
      %dma_start3A_301 = tpu.memref_slice %arg2[%add3A_4] : memref<8192xi32, #tpu.memory_space<hbm>> -> memref<64xi32, #tpu.memory_space<hbm>>
      tpu.enqueue_dma source(%dma_start3A_301 : memref<64xi32, #tpu.memory_space<hbm>>) target(%dma_start3A_300 : memref<64xi32, #tpu.memory_space<vmem>>) target_semaphore(%run_scoped3A_293 : memref<!tpu.dma_semaphore, #tpu.memory_space<semaphore_mem>>)
      %dma_wait3A_302 = arith.constant 0 : i32
      %dma_wait3A_303 = tpu.memref_slice %arg5[%run_scoped3A, %run_scoped3A_5, %dma_wait3A_302] : memref<4x1x64xi32, #tpu.memory_space<vmem>> -> memref<1x1x64xi32, #tpu.memory_space<vmem>>
      %dma_wait3A_304 = tpu.memref_squeeze %dma_wait3A_303 : memref<1x1x64xi32, #tpu.memory_space<vmem>> -> memref<64xi32, #tpu.memory_space<vmem>>
      %dma_wait3A_305 = tpu.memref_slice %arg2[%add3A_4] : memref<8192xi32, #tpu.memory_space<hbm>> -> memref<64xi32, #tpu.memory_space<hbm>>
      %dma_wait3A_306 = arith.constant 0 : i32
      %dma_wait3A_307 = tpu.memref_slice %arg5[%run_scoped3A, %run_scoped3A_5, %dma_wait3A_306] : memref<4x1x64xi32, #tpu.memory_space<vmem>> -> memref<1x1x64xi32, #tpu.memory_space<vmem>>
      %dma_wait3A_308 = tpu.memref_squeeze %dma_wait3A_307 : memref<1x1x64xi32, #tpu.memory_space<vmem>> -> memref<64xi32, #tpu.memory_space<vmem>>
      %dma_wait3A_309 = tpu.memref_slice %arg2[%add3A_4] : memref<8192xi32, #tpu.memory_space<hbm>> -> memref<64xi32, #tpu.memory_space<hbm>>
      tpu.wait_dma2 semaphore(%run_scoped3A_293 : memref<!tpu.dma_semaphore, #tpu.memory_space<semaphore_mem>>) src(%dma_wait3A_309 : memref<64xi32, #tpu.memory_space<hbm>>) dst(%dma_wait3A_308 : memref<64xi32, #tpu.memory_space<vmem>>)
      tpu.yield
    }) : () -> ()
    %add3A_6 = arith.constant 64 : i32
    %add3A_7 = arith.addi %mul3A_2, %add3A_6 : i32
    %run_scoped3A_8 = arith.constant 1 : i32
    %run_scoped3A_9 = arith.constant 0 : i32
    "tpu.region"() ({
      %run_scoped3A_293 = tpu.sem_alloc : memref<!tpu.dma_semaphore, #tpu.memory_space<semaphore_mem>>
      %dma_start3A_294 = arith.constant 0 : i32
      %dma_start3A_295 = tpu.memref_slice %arg5[%run_scoped3A_8, %run_scoped3A_9, %dma_start3A_294] : memref<4x1x64xi32, #tpu.memory_space<vmem>> -> memref<1x1x64xi32, #tpu.memory_space<vmem>>
      %dma_start3A_296 = tpu.memref_squeeze %dma_start3A_295 : memref<1x1x64xi32, #tpu.memory_space<vmem>> -> memref<64xi32, #tpu.memory_space<vmem>>
      %dma_start3A_297 = tpu.memref_slice %arg2[%add3A_7] : memref<8192xi32, #tpu.memory_space<hbm>> -> memref<64xi32, #tpu.memory_space<hbm>>
      %dma_start3A_298 = arith.constant 0 : i32
      %dma_start3A_299 = tpu.memref_slice %arg5[%run_scoped3A_8, %run_scoped3A_9, %dma_start3A_298] : memref<4x1x64xi32, #tpu.memory_space<vmem>> -> memref<1x1x64xi32, #tpu.memory_space<vmem>>
      %dma_start3A_300 = tpu.memref_squeeze %dma_start3A_299 : memref<1x1x64xi32, #tpu.memory_space<vmem>> -> memref<64xi32, #tpu.memory_space<vmem>>
      %dma_start3A_301 = tpu.memref_slice %arg2[%add3A_7] : memref<8192xi32, #tpu.memory_space<hbm>> -> memref<64xi32, #tpu.memory_space<hbm>>
      tpu.enqueue_dma source(%dma_start3A_301 : memref<64xi32, #tpu.memory_space<hbm>>) target(%dma_start3A_300 : memref<64xi32, #tpu.memory_space<vmem>>) target_semaphore(%run_scoped3A_293 : memref<!tpu.dma_semaphore, #tpu.memory_space<semaphore_mem>>)
      %dma_wait3A_302 = arith.constant 0 : i32
      %dma_wait3A_303 = tpu.memref_slice %arg5[%run_scoped3A_8, %run_scoped3A_9, %dma_wait3A_302] : memref<4x1x64xi32, #tpu.memory_space<vmem>> -> memref<1x1x64xi32, #tpu.memory_space<vmem>>
      %dma_wait3A_304 = tpu.memref_squeeze %dma_wait3A_303 : memref<1x1x64xi32, #tpu.memory_space<vmem>> -> memref<64xi32, #tpu.memory_space<vmem>>
      %dma_wait3A_305 = tpu.memref_slice %arg2[%add3A_7] : memref<8192xi32, #tpu.memory_space<hbm>> -> memref<64xi32, #tpu.memory_space<hbm>>
      %dma_wait3A_306 = arith.constant 0 : i32
      %dma_wait3A_307 = tpu.memref_slice %arg5[%run_scoped3A_8, %run_scoped3A_9, %dma_wait3A_306] : memref<4x1x64xi32, #tpu.memory_space<vmem>> -> memref<1x1x64xi32, #tpu.memory_space<vmem>>
      %dma_wait3A_308 = tpu.memref_squeeze %dma_wait3A_307 : memref<1x1x64xi32, #tpu.memory_space<vmem>> -> memref<64xi32, #tpu.memory_space<vmem>>
      %dma_wait3A_309 = tpu.memref_slice %arg2[%add3A_7] : memref<8192xi32, #tpu.memory_space<hbm>> -> memref<64xi32, #tpu.memory_space<hbm>>
      tpu.wait_dma2 semaphore(%run_scoped3A_293 : memref<!tpu.dma_semaphore, #tpu.memory_space<semaphore_mem>>) src(%dma_wait3A_309 : memref<64xi32, #tpu.memory_space<hbm>>) dst(%dma_wait3A_308 : memref<64xi32, #tpu.memory_space<vmem>>)
      tpu.yield
    }) : () -> ()
    %add3A_10 = arith.constant 128 : i32
    %add3A_11 = arith.addi %mul3A_2, %add3A_10 : i32
    %run_scoped3A_12 = arith.constant 2 : i32
    %run_scoped3A_13 = arith.constant 0 : i32
    "tpu.region"() ({
      %run_scoped3A_293 = tpu.sem_alloc : memref<!tpu.dma_semaphore, #tpu.memory_space<semaphore_mem>>
      %dma_start3A_294 = arith.constant 0 : i32
      %dma_start3A_295 = tpu.memref_slice %arg5[%run_scoped3A_12, %run_scoped3A_13, %dma_start3A_294] : memref<4x1x64xi32, #tpu.memory_space<vmem>> -> memref<1x1x64xi32, #tpu.memory_space<vmem>>
      %dma_start3A_296 = tpu.memref_squeeze %dma_start3A_295 : memref<1x1x64xi32, #tpu.memory_space<vmem>> -> memref<64xi32, #tpu.memory_space<vmem>>
      %dma_start3A_297 = tpu.memref_slice %arg2[%add3A_11] : memref<8192xi32, #tpu.memory_space<hbm>> -> memref<64xi32, #tpu.memory_space<hbm>>
      %dma_start3A_298 = arith.constant 0 : i32
      %dma_start3A_299 = tpu.memref_slice %arg5[%run_scoped3A_12, %run_scoped3A_13, %dma_start3A_298] : memref<4x1x64xi32, #tpu.memory_space<vmem>> -> memref<1x1x64xi32, #tpu.memory_space<vmem>>
      %dma_start3A_300 = tpu.memref_squeeze %dma_start3A_299 : memref<1x1x64xi32, #tpu.memory_space<vmem>> -> memref<64xi32, #tpu.memory_space<vmem>>
      %dma_start3A_301 = tpu.memref_slice %arg2[%add3A_11] : memref<8192xi32, #tpu.memory_space<hbm>> -> memref<64xi32, #tpu.memory_space<hbm>>
      tpu.enqueue_dma source(%dma_start3A_301 : memref<64xi32, #tpu.memory_space<hbm>>) target(%dma_start3A_300 : memref<64xi32, #tpu.memory_space<vmem>>) target_semaphore(%run_scoped3A_293 : memref<!tpu.dma_semaphore, #tpu.memory_space<semaphore_mem>>)
      %dma_wait3A_302 = arith.constant 0 : i32
      %dma_wait3A_303 = tpu.memref_slice %arg5[%run_scoped3A_12, %run_scoped3A_13, %dma_wait3A_302] : memref<4x1x64xi32, #tpu.memory_space<vmem>> -> memref<1x1x64xi32, #tpu.memory_space<vmem>>
      %dma_wait3A_304 = tpu.memref_squeeze %dma_wait3A_303 : memref<1x1x64xi32, #tpu.memory_space<vmem>> -> memref<64xi32, #tpu.memory_space<vmem>>
      %dma_wait3A_305 = tpu.memref_slice %arg2[%add3A_11] : memref<8192xi32, #tpu.memory_space<hbm>> -> memref<64xi32, #tpu.memory_space<hbm>>
      %dma_wait3A_306 = arith.constant 0 : i32
      %dma_wait3A_307 = tpu.memref_slice %arg5[%run_scoped3A_12, %run_scoped3A_13, %dma_wait3A_306] : memref<4x1x64xi32, #tpu.memory_space<vmem>> -> memref<1x1x64xi32, #tpu.memory_space<vmem>>
      %dma_wait3A_308 = tpu.memref_squeeze %dma_wait3A_307 : memref<1x1x64xi32, #tpu.memory_space<vmem>> -> memref<64xi32, #tpu.memory_space<vmem>>
      %dma_wait3A_309 = tpu.memref_slice %arg2[%add3A_11] : memref<8192xi32, #tpu.memory_space<hbm>> -> memref<64xi32, #tpu.memory_space<hbm>>
      tpu.wait_dma2 semaphore(%run_scoped3A_293 : memref<!tpu.dma_semaphore, #tpu.memory_space<semaphore_mem>>) src(%dma_wait3A_309 : memref<64xi32, #tpu.memory_space<hbm>>) dst(%dma_wait3A_308 : memref<64xi32, #tpu.memory_space<vmem>>)
      tpu.yield
    }) : () -> ()
    %add3A_14 = arith.constant 192 : i32
    %add3A_15 = arith.addi %mul3A_2, %add3A_14 : i32
    %run_scoped3A_16 = arith.constant 3 : i32
    %run_scoped3A_17 = arith.constant 0 : i32
    "tpu.region"() ({
      %run_scoped3A_293 = tpu.sem_alloc : memref<!tpu.dma_semaphore, #tpu.memory_space<semaphore_mem>>
      %dma_start3A_294 = arith.constant 0 : i32
      %dma_start3A_295 = tpu.memref_slice %arg5[%run_scoped3A_16, %run_scoped3A_17, %dma_start3A_294] : memref<4x1x64xi32, #tpu.memory_space<vmem>> -> memref<1x1x64xi32, #tpu.memory_space<vmem>>
      %dma_start3A_296 = tpu.memref_squeeze %dma_start3A_295 : memref<1x1x64xi32, #tpu.memory_space<vmem>> -> memref<64xi32, #tpu.memory_space<vmem>>
      %dma_start3A_297 = tpu.memref_slice %arg2[%add3A_15] : memref<8192xi32, #tpu.memory_space<hbm>> -> memref<64xi32, #tpu.memory_space<hbm>>
      %dma_start3A_298 = arith.constant 0 : i32
      %dma_start3A_299 = tpu.memref_slice %arg5[%run_scoped3A_16, %run_scoped3A_17, %dma_start3A_298] : memref<4x1x64xi32, #tpu.memory_space<vmem>> -> memref<1x1x64xi32, #tpu.memory_space<vmem>>
      %dma_start3A_300 = tpu.memref_squeeze %dma_start3A_299 : memref<1x1x64xi32, #tpu.memory_space<vmem>> -> memref<64xi32, #tpu.memory_space<vmem>>
      %dma_start3A_301 = tpu.memref_slice %arg2[%add3A_15] : memref<8192xi32, #tpu.memory_space<hbm>> -> memref<64xi32, #tpu.memory_space<hbm>>
      tpu.enqueue_dma source(%dma_start3A_301 : memref<64xi32, #tpu.memory_space<hbm>>) target(%dma_start3A_300 : memref<64xi32, #tpu.memory_space<vmem>>) target_semaphore(%run_scoped3A_293 : memref<!tpu.dma_semaphore, #tpu.memory_space<semaphore_mem>>)
      %dma_wait3A_302 = arith.constant 0 : i32
      %dma_wait3A_303 = tpu.memref_slice %arg5[%run_scoped3A_16, %run_scoped3A_17, %dma_wait3A_302] : memref<4x1x64xi32, #tpu.memory_space<vmem>> -> memref<1x1x64xi32, #tpu.memory_space<vmem>>
      %dma_wait3A_304 = tpu.memref_squeeze %dma_wait3A_303 : memref<1x1x64xi32, #tpu.memory_space<vmem>> -> memref<64xi32, #tpu.memory_space<vmem>>
      %dma_wait3A_305 = tpu.memref_slice %arg2[%add3A_15] : memref<8192xi32, #tpu.memory_space<hbm>> -> memref<64xi32, #tpu.memory_space<hbm>>
      %dma_wait3A_306 = arith.constant 0 : i32
      %dma_wait3A_307 = tpu.memref_slice %arg5[%run_scoped3A_16, %run_scoped3A_17, %dma_wait3A_306] : memref<4x1x64xi32, #tpu.memory_space<vmem>> -> memref<1x1x64xi32, #tpu.memory_space<vmem>>
      %dma_wait3A_308 = tpu.memref_squeeze %dma_wait3A_307 : memref<1x1x64xi32, #tpu.memory_space<vmem>> -> memref<64xi32, #tpu.memory_space<vmem>>
      %dma_wait3A_309 = tpu.memref_slice %arg2[%add3A_15] : memref<8192xi32, #tpu.memory_space<hbm>> -> memref<64xi32, #tpu.memory_space<hbm>>
      tpu.wait_dma2 semaphore(%run_scoped3A_293 : memref<!tpu.dma_semaphore, #tpu.memory_space<semaphore_mem>>) src(%dma_wait3A_309 : memref<64xi32, #tpu.memory_space<hbm>>) dst(%dma_wait3A_308 : memref<64xi32, #tpu.memory_space<vmem>>)
      tpu.yield
    }) : () -> ()
    %add3A_18 = arith.constant 0 : i32
    %add3A_19 = arith.addi %mul3A_2, %add3A_18 : i32
    %broadcast_in_dim3A = vector.broadcast %add3A_19 : i32 to vector<16xi32>
    %add3A_20 = arith.addi %broadcast_in_dim3A, %iota3A : vector<16xi32>
    %broadcast_in_dim3A_21 = arith.constant 1 : i32
    %broadcast_in_dim3A_22 = vector.broadcast %broadcast_in_dim3A_21 : i32 to vector<16xi32>
    %shift_right_logical3A = arith.shrui %add3A_20, %broadcast_in_dim3A_22 : vector<16xi32>
    %swap3A = arith.constant 0 : index
    %swap3A_23 = tpu.vector_load %arg6[%swap3A] {strides = array<i32>} : memref<256xi32, #tpu.memory_space<vmem>>, vector<16xi32>,
    %swap3A_24 = vector.shape_cast %swap3A_23 : vector<16xi32> to vector<16xi32>
    %swap3A_25 = vector.shape_cast %shift_right_logical3A : vector<16xi32> to vector<16xi32>
    tpu.vector_store %arg6[%swap3A], %swap3A_25 {strides = array<i32>} : memref<256xi32, #tpu.memory_space<vmem>>, vector<16xi32>,
    %add3A_26 = arith.constant 16 : i32
    %add3A_27 = arith.addi %mul3A_2, %add3A_26 : i32
    %broadcast_in_dim3A_28 = vector.broadcast %add3A_27 : i32 to vector<16xi32>
    %add3A_29 = arith.addi %broadcast_in_dim3A_28, %iota3A : vector<16xi32>
    %broadcast_in_dim3A_30 = arith.constant 1 : i32
    %broadcast_in_dim3A_31 = vector.broadcast %broadcast_in_dim3A_30 : i32 to vector<16xi32>
    %shift_right_logical3A_32 = arith.shrui %add3A_29, %broadcast_in_dim3A_31 : vector<16xi32>
    %swap3A_33 = arith.constant 16 : index
    %swap3A_34 = tpu.vector_load %arg6[%swap3A_33] {strides = array<i32>} : memref<256xi32, #tpu.memory_space<vmem>>, vector<16xi32>,
    %swap3A_35 = vector.shape_cast %swap3A_34 : vector<16xi32> to vector<16xi32>
    %swap3A_36 = vector.shape_cast %shift_right_logical3A_32 : vector<16xi32> to vector<16xi32>
    tpu.vector_store %arg6[%swap3A_33], %swap3A_36 {strides = array<i32>} : memref<256xi32, #tpu.memory_space<vmem>>, vector<16xi32>,
    %add3A_37 = arith.constant 32 : i32
    %add3A_38 = arith.addi %mul3A_2, %add3A_37 : i32
    %broadcast_in_dim3A_39 = vector.broadcast %add3A_38 : i32 to vector<16xi32>
    %add3A_40 = arith.addi %broadcast_in_dim3A_39, %iota3A : vector<16xi32>
    %broadcast_in_dim3A_41 = arith.constant 1 : i32
    %broadcast_in_dim3A_42 = vector.broadcast %broadcast_in_dim3A_41 : i32 to vector<16xi32>
    %shift_right_logical3A_43 = arith.shrui %add3A_40, %broadcast_in_dim3A_42 : vector<16xi32>
    %swap3A_44 = arith.constant 32 : index
    %swap3A_45 = tpu.vector_load %arg6[%swap3A_44] {strides = array<i32>} : memref<256xi32, #tpu.memory_space<vmem>>, vector<16xi32>,
    %swap3A_46 = vector.shape_cast %swap3A_45 : vector<16xi32> to vector<16xi32>
    %swap3A_47 = vector.shape_cast %shift_right_logical3A_43 : vector<16xi32> to vector<16xi32>
    tpu.vector_store %arg6[%swap3A_44], %swap3A_47 {strides = array<i32>} : memref<256xi32, #tpu.memory_space<vmem>>, vector<16xi32>,
    %add3A_48 = arith.constant 48 : i32
    %add3A_49 = arith.addi %mul3A_2, %add3A_48 : i32
    %broadcast_in_dim3A_50 = vector.broadcast %add3A_49 : i32 to vector<16xi32>
    %add3A_51 = arith.addi %broadcast_in_dim3A_50, %iota3A : vector<16xi32>
    %broadcast_in_dim3A_52 = arith.constant 1 : i32
    %broadcast_in_dim3A_53 = vector.broadcast %broadcast_in_dim3A_52 : i32 to vector<16xi32>
    %shift_right_logical3A_54 = arith.shrui %add3A_51, %broadcast_in_dim3A_53 : vector<16xi32>
    %swap3A_55 = arith.constant 48 : index
    %swap3A_56 = tpu.vector_load %arg6[%swap3A_55] {strides = array<i32>} : memref<256xi32, #tpu.memory_space<vmem>>, vector<16xi32>,
    %swap3A_57 = vector.shape_cast %swap3A_56 : vector<16xi32> to vector<16xi32>
    %swap3A_58 = vector.shape_cast %shift_right_logical3A_54 : vector<16xi32> to vector<16xi32>
    tpu.vector_store %arg6[%swap3A_55], %swap3A_58 {strides = array<i32>} : memref<256xi32, #tpu.memory_space<vmem>>, vector<16xi32>,
    %add3A_59 = arith.constant 64 : i32
    %add3A_60 = arith.addi %mul3A_2, %add3A_59 : i32
    %broadcast_in_dim3A_61 = vector.broadcast %add3A_60 : i32 to vector<16xi32>
    %add3A_62 = arith.addi %broadcast_in_dim3A_61, %iota3A : vector<16xi32>
    %broadcast_in_dim3A_63 = arith.constant 1 : i32
    %broadcast_in_dim3A_64 = vector.broadcast %broadcast_in_dim3A_63 : i32 to vector<16xi32>
    %shift_right_logical3A_65 = arith.shrui %add3A_62, %broadcast_in_dim3A_64 : vector<16xi32>
    %swap3A_66 = arith.constant 64 : index
    %swap3A_67 = tpu.vector_load %arg6[%swap3A_66] {strides = array<i32>} : memref<256xi32, #tpu.memory_space<vmem>>, vector<16xi32>,
    %swap3A_68 = vector.shape_cast %swap3A_67 : vector<16xi32> to vector<16xi32>
    %swap3A_69 = vector.shape_cast %shift_right_logical3A_65 : vector<16xi32> to vector<16xi32>
    tpu.vector_store %arg6[%swap3A_66], %swap3A_69 {strides = array<i32>} : memref<256xi32, #tpu.memory_space<vmem>>, vector<16xi32>,
    %add3A_70 = arith.constant 80 : i32
    %add3A_71 = arith.addi %mul3A_2, %add3A_70 : i32
    %broadcast_in_dim3A_72 = vector.broadcast %add3A_71 : i32 to vector<16xi32>
    %add3A_73 = arith.addi %broadcast_in_dim3A_72, %iota3A : vector<16xi32>
    %broadcast_in_dim3A_74 = arith.constant 1 : i32
    %broadcast_in_dim3A_75 = vector.broadcast %broadcast_in_dim3A_74 : i32 to vector<16xi32>
    %shift_right_logical3A_76 = arith.shrui %add3A_73, %broadcast_in_dim3A_75 : vector<16xi32>
    %swap3A_77 = arith.constant 80 : index
    %swap3A_78 = tpu.vector_load %arg6[%swap3A_77] {strides = array<i32>} : memref<256xi32, #tpu.memory_space<vmem>>, vector<16xi32>,
    %swap3A_79 = vector.shape_cast %swap3A_78 : vector<16xi32> to vector<16xi32>
    %swap3A_80 = vector.shape_cast %shift_right_logical3A_76 : vector<16xi32> to vector<16xi32>
    tpu.vector_store %arg6[%swap3A_77], %swap3A_80 {strides = array<i32>} : memref<256xi32, #tpu.memory_space<vmem>>, vector<16xi32>,
    %add3A_81 = arith.constant 96 : i32
    %add3A_82 = arith.addi %mul3A_2, %add3A_81 : i32
    %broadcast_in_dim3A_83 = vector.broadcast %add3A_82 : i32 to vector<16xi32>
    %add3A_84 = arith.addi %broadcast_in_dim3A_83, %iota3A : vector<16xi32>
    %broadcast_in_dim3A_85 = arith.constant 1 : i32
    %broadcast_in_dim3A_86 = vector.broadcast %broadcast_in_dim3A_85 : i32 to vector<16xi32>
    %shift_right_logical3A_87 = arith.shrui %add3A_84, %broadcast_in_dim3A_86 : vector<16xi32>
    %swap3A_88 = arith.constant 96 : index
    %swap3A_89 = tpu.vector_load %arg6[%swap3A_88] {strides = array<i32>} : memref<256xi32, #tpu.memory_space<vmem>>, vector<16xi32>,
    %swap3A_90 = vector.shape_cast %swap3A_89 : vector<16xi32> to vector<16xi32>
    %swap3A_91 = vector.shape_cast %shift_right_logical3A_87 : vector<16xi32> to vector<16xi32>
    tpu.vector_store %arg6[%swap3A_88], %swap3A_91 {strides = array<i32>} : memref<256xi32, #tpu.memory_space<vmem>>, vector<16xi32>,
    %add3A_92 = arith.constant 112 : i32
    %add3A_93 = arith.addi %mul3A_2, %add3A_92 : i32
    %broadcast_in_dim3A_94 = vector.broadcast %add3A_93 : i32 to vector<16xi32>
    %add3A_95 = arith.addi %broadcast_in_dim3A_94, %iota3A : vector<16xi32>
    %broadcast_in_dim3A_96 = arith.constant 1 : i32
    %broadcast_in_dim3A_97 = vector.broadcast %broadcast_in_dim3A_96 : i32 to vector<16xi32>
    %shift_right_logical3A_98 = arith.shrui %add3A_95, %broadcast_in_dim3A_97 : vector<16xi32>
    %swap3A_99 = arith.constant 112 : index
    %swap3A_100 = tpu.vector_load %arg6[%swap3A_99] {strides = array<i32>} : memref<256xi32, #tpu.memory_space<vmem>>, vector<16xi32>,
    %swap3A_101 = vector.shape_cast %swap3A_100 : vector<16xi32> to vector<16xi32>
    %swap3A_102 = vector.shape_cast %shift_right_logical3A_98 : vector<16xi32> to vector<16xi32>
    tpu.vector_store %arg6[%swap3A_99], %swap3A_102 {strides = array<i32>} : memref<256xi32, #tpu.memory_space<vmem>>, vector<16xi32>,
    %add3A_103 = arith.constant 128 : i32
    %add3A_104 = arith.addi %mul3A_2, %add3A_103 : i32
    %broadcast_in_dim3A_105 = vector.broadcast %add3A_104 : i32 to vector<16xi32>
    %add3A_106 = arith.addi %broadcast_in_dim3A_105, %iota3A : vector<16xi32>
    %broadcast_in_dim3A_107 = arith.constant 1 : i32
    %broadcast_in_dim3A_108 = vector.broadcast %broadcast_in_dim3A_107 : i32 to vector<16xi32>
    %shift_right_logical3A_109 = arith.shrui %add3A_106, %broadcast_in_dim3A_108 : vector<16xi32>
    %swap3A_110 = arith.constant 128 : index
    %swap3A_111 = tpu.vector_load %arg6[%swap3A_110] {strides = array<i32>} : memref<256xi32, #tpu.memory_space<vmem>>, vector<16xi32>,
    %swap3A_112 = vector.shape_cast %swap3A_111 : vector<16xi32> to vector<16xi32>
    %swap3A_113 = vector.shape_cast %shift_right_logical3A_109 : vector<16xi32> to vector<16xi32>
    tpu.vector_store %arg6[%swap3A_110], %swap3A_113 {strides = array<i32>} : memref<256xi32, #tpu.memory_space<vmem>>, vector<16xi32>,
    %add3A_114 = arith.constant 144 : i32
    %add3A_115 = arith.addi %mul3A_2, %add3A_114 : i32
    %broadcast_in_dim3A_116 = vector.broadcast %add3A_115 : i32 to vector<16xi32>
    %add3A_117 = arith.addi %broadcast_in_dim3A_116, %iota3A : vector<16xi32>
    %broadcast_in_dim3A_118 = arith.constant 1 : i32
    %broadcast_in_dim3A_119 = vector.broadcast %broadcast_in_dim3A_118 : i32 to vector<16xi32>
    %shift_right_logical3A_120 = arith.shrui %add3A_117, %broadcast_in_dim3A_119 : vector<16xi32>
    %swap3A_121 = arith.constant 144 : index
    %swap3A_122 = tpu.vector_load %arg6[%swap3A_121] {strides = array<i32>} : memref<256xi32, #tpu.memory_space<vmem>>, vector<16xi32>,
    %swap3A_123 = vector.shape_cast %swap3A_122 : vector<16xi32> to vector<16xi32>
    %swap3A_124 = vector.shape_cast %shift_right_logical3A_120 : vector<16xi32> to vector<16xi32>
    tpu.vector_store %arg6[%swap3A_121], %swap3A_124 {strides = array<i32>} : memref<256xi32, #tpu.memory_space<vmem>>, vector<16xi32>,
    %add3A_125 = arith.constant 160 : i32
    %add3A_126 = arith.addi %mul3A_2, %add3A_125 : i32
    %broadcast_in_dim3A_127 = vector.broadcast %add3A_126 : i32 to vector<16xi32>
    %add3A_128 = arith.addi %broadcast_in_dim3A_127, %iota3A : vector<16xi32>
    %broadcast_in_dim3A_129 = arith.constant 1 : i32
    %broadcast_in_dim3A_130 = vector.broadcast %broadcast_in_dim3A_129 : i32 to vector<16xi32>
    %shift_right_logical3A_131 = arith.shrui %add3A_128, %broadcast_in_dim3A_130 : vector<16xi32>
    %swap3A_132 = arith.constant 160 : index
    %swap3A_133 = tpu.vector_load %arg6[%swap3A_132] {strides = array<i32>} : memref<256xi32, #tpu.memory_space<vmem>>, vector<16xi32>,
    %swap3A_134 = vector.shape_cast %swap3A_133 : vector<16xi32> to vector<16xi32>
    %swap3A_135 = vector.shape_cast %shift_right_logical3A_131 : vector<16xi32> to vector<16xi32>
    tpu.vector_store %arg6[%swap3A_132], %swap3A_135 {strides = array<i32>} : memref<256xi32, #tpu.memory_space<vmem>>, vector<16xi32>,
    %add3A_136 = arith.constant 176 : i32
    %add3A_137 = arith.addi %mul3A_2, %add3A_136 : i32
    %broadcast_in_dim3A_138 = vector.broadcast %add3A_137 : i32 to vector<16xi32>
    %add3A_139 = arith.addi %broadcast_in_dim3A_138, %iota3A : vector<16xi32>
    %broadcast_in_dim3A_140 = arith.constant 1 : i32
    %broadcast_in_dim3A_141 = vector.broadcast %broadcast_in_dim3A_140 : i32 to vector<16xi32>
    %shift_right_logical3A_142 = arith.shrui %add3A_139, %broadcast_in_dim3A_141 : vector<16xi32>
    %swap3A_143 = arith.constant 176 : index
    %swap3A_144 = tpu.vector_load %arg6[%swap3A_143] {strides = array<i32>} : memref<256xi32, #tpu.memory_space<vmem>>, vector<16xi32>,
    %swap3A_145 = vector.shape_cast %swap3A_144 : vector<16xi32> to vector<16xi32>
    %swap3A_146 = vector.shape_cast %shift_right_logical3A_142 : vector<16xi32> to vector<16xi32>
    tpu.vector_store %arg6[%swap3A_143], %swap3A_146 {strides = array<i32>} : memref<256xi32, #tpu.memory_space<vmem>>, vector<16xi32>,
    %add3A_147 = arith.constant 192 : i32
    %add3A_148 = arith.addi %mul3A_2, %add3A_147 : i32
    %broadcast_in_dim3A_149 = vector.broadcast %add3A_148 : i32 to vector<16xi32>
    %add3A_150 = arith.addi %broadcast_in_dim3A_149, %iota3A : vector<16xi32>
    %broadcast_in_dim3A_151 = arith.constant 1 : i32
    %broadcast_in_dim3A_152 = vector.broadcast %broadcast_in_dim3A_151 : i32 to vector<16xi32>
    %shift_right_logical3A_153 = arith.shrui %add3A_150, %broadcast_in_dim3A_152 : vector<16xi32>
    %swap3A_154 = arith.constant 192 : index
    %swap3A_155 = tpu.vector_load %arg6[%swap3A_154] {strides = array<i32>} : memref<256xi32, #tpu.memory_space<vmem>>, vector<16xi32>,
    %swap3A_156 = vector.shape_cast %swap3A_155 : vector<16xi32> to vector<16xi32>
    %swap3A_157 = vector.shape_cast %shift_right_logical3A_153 : vector<16xi32> to vector<16xi32>
    tpu.vector_store %arg6[%swap3A_154], %swap3A_157 {strides = array<i32>} : memref<256xi32, #tpu.memory_space<vmem>>, vector<16xi32>,
    %add3A_158 = arith.constant 208 : i32
    %add3A_159 = arith.addi %mul3A_2, %add3A_158 : i32
    %broadcast_in_dim3A_160 = vector.broadcast %add3A_159 : i32 to vector<16xi32>
    %add3A_161 = arith.addi %broadcast_in_dim3A_160, %iota3A : vector<16xi32>
    %broadcast_in_dim3A_162 = arith.constant 1 : i32
    %broadcast_in_dim3A_163 = vector.broadcast %broadcast_in_dim3A_162 : i32 to vector<16xi32>
    %shift_right_logical3A_164 = arith.shrui %add3A_161, %broadcast_in_dim3A_163 : vector<16xi32>
    %swap3A_165 = arith.constant 208 : index
    %swap3A_166 = tpu.vector_load %arg6[%swap3A_165] {strides = array<i32>} : memref<256xi32, #tpu.memory_space<vmem>>, vector<16xi32>,
    %swap3A_167 = vector.shape_cast %swap3A_166 : vector<16xi32> to vector<16xi32>
    %swap3A_168 = vector.shape_cast %shift_right_logical3A_164 : vector<16xi32> to vector<16xi32>
    tpu.vector_store %arg6[%swap3A_165], %swap3A_168 {strides = array<i32>} : memref<256xi32, #tpu.memory_space<vmem>>, vector<16xi32>,
    %add3A_169 = arith.constant 224 : i32
    %add3A_170 = arith.addi %mul3A_2, %add3A_169 : i32
    %broadcast_in_dim3A_171 = vector.broadcast %add3A_170 : i32 to vector<16xi32>
    %add3A_172 = arith.addi %broadcast_in_dim3A_171, %iota3A : vector<16xi32>
    %broadcast_in_dim3A_173 = arith.constant 1 : i32
    %broadcast_in_dim3A_174 = vector.broadcast %broadcast_in_dim3A_173 : i32 to vector<16xi32>
    %shift_right_logical3A_175 = arith.shrui %add3A_172, %broadcast_in_dim3A_174 : vector<16xi32>
    %swap3A_176 = arith.constant 224 : index
    %swap3A_177 = tpu.vector_load %arg6[%swap3A_176] {strides = array<i32>} : memref<256xi32, #tpu.memory_space<vmem>>, vector<16xi32>,
    %swap3A_178 = vector.shape_cast %swap3A_177 : vector<16xi32> to vector<16xi32>
    %swap3A_179 = vector.shape_cast %shift_right_logical3A_175 : vector<16xi32> to vector<16xi32>
    tpu.vector_store %arg6[%swap3A_176], %swap3A_179 {strides = array<i32>} : memref<256xi32, #tpu.memory_space<vmem>>, vector<16xi32>,
    %add3A_180 = arith.constant 240 : i32
    %add3A_181 = arith.addi %mul3A_2, %add3A_180 : i32
    %broadcast_in_dim3A_182 = vector.broadcast %add3A_181 : i32 to vector<16xi32>
    %add3A_183 = arith.addi %broadcast_in_dim3A_182, %iota3A : vector<16xi32>
    %broadcast_in_dim3A_184 = arith.constant 1 : i32
    %broadcast_in_dim3A_185 = vector.broadcast %broadcast_in_dim3A_184 : i32 to vector<16xi32>
    %shift_right_logical3A_186 = arith.shrui %add3A_183, %broadcast_in_dim3A_185 : vector<16xi32>
    %swap3A_187 = arith.constant 240 : index
    %swap3A_188 = tpu.vector_load %arg6[%swap3A_187] {strides = array<i32>} : memref<256xi32, #tpu.memory_space<vmem>>, vector<16xi32>,
    %swap3A_189 = vector.shape_cast %swap3A_188 : vector<16xi32> to vector<16xi32>
    %swap3A_190 = vector.shape_cast %shift_right_logical3A_186 : vector<16xi32> to vector<16xi32>
    tpu.vector_store %arg6[%swap3A_187], %swap3A_190 {strides = array<i32>} : memref<256xi32, #tpu.memory_space<vmem>>, vector<16xi32>,
    %dma_start3A = arith.constant 0 : i32
    %dma_start3A_191 = tpu.memref_slice %arg6[%dma_start3A] : memref<256xi32, #tpu.memory_space<vmem>> -> memref<64xi32, #tpu.memory_space<vmem>>
    %dma_start3A_192 = arith.constant 0 : i32
    %dma_start3A_193 = arith.constant 0 : i32
    %dma_start3A_194 = tpu.memref_slice %arg3[%dma_start3A_192, %dma_start3A_193] : memref<4096x512xi32, #tpu.memory_space<hbm>> -> memref<4096x512xi32, #tpu.memory_space<hbm>>
    tpu.enqueue_indirect_dma source(%dma_start3A_194 : memref<4096x512xi32, #tpu.memory_space<hbm>>) target(%arg7 : memref<64x512xi32, #tpu.memory_space<vmem>>) offsets(%dma_start3A_191 : memref<64xi32, #tpu.memory_space<vmem>>) semaphore(%arg9 : memref<!tpu.dma_semaphore, #tpu.memory_space<semaphore_mem>>)
    %dma_wait3A = arith.constant 0 : i32
    %dma_wait3A_195 = tpu.memref_slice %arg6[%dma_wait3A] : memref<256xi32, #tpu.memory_space<vmem>> -> memref<64xi32, #tpu.memory_space<vmem>>
    %dma_wait3A_196 = arith.constant 0 : i32
    %dma_wait3A_197 = arith.constant 0 : i32
    %dma_wait3A_198 = tpu.memref_slice %arg3[%dma_wait3A_196, %dma_wait3A_197] : memref<4096x512xi32, #tpu.memory_space<hbm>> -> memref<4096x512xi32, #tpu.memory_space<hbm>>
    tpu.wait_indirect_dma semaphore(%arg9 : memref<!tpu.dma_semaphore, #tpu.memory_space<semaphore_mem>>) src(%dma_wait3A_198 : memref<4096x512xi32, #tpu.memory_space<hbm>>) dst(%arg7 : memref<64x512xi32, #tpu.memory_space<vmem>>)
    %dma_start3A_199 = arith.constant 64 : i32
    %dma_start3A_200 = tpu.memref_slice %arg6[%dma_start3A_199] : memref<256xi32, #tpu.memory_space<vmem>> -> memref<64xi32, #tpu.memory_space<vmem>>
    %dma_start3A_201 = arith.constant 0 : i32
    %dma_start3A_202 = arith.constant 0 : i32
    %dma_start3A_203 = tpu.memref_slice %arg3[%dma_start3A_201, %dma_start3A_202] : memref<4096x512xi32, #tpu.memory_space<hbm>> -> memref<4096x512xi32, #tpu.memory_space<hbm>>
    tpu.enqueue_indirect_dma source(%dma_start3A_203 : memref<4096x512xi32, #tpu.memory_space<hbm>>) target(%arg8 : memref<64x512xi32, #tpu.memory_space<vmem>>) offsets(%dma_start3A_200 : memref<64xi32, #tpu.memory_space<vmem>>) semaphore(%arg10 : memref<!tpu.dma_semaphore, #tpu.memory_space<semaphore_mem>>)
    %dma_start3A_204 = arith.constant 0 : i32
    %dma_start3A_205 = arith.constant 0 : i32
    %dma_start3A_206 = arith.constant 0 : i32
    %dma_start3A_207 = tpu.memref_slice %arg5[%dma_start3A_204, %dma_start3A_205, %dma_start3A_206] : memref<4x1x64xi32, #tpu.memory_space<vmem>> -> memref<1x1x64xi32, #tpu.memory_space<vmem>>
    %dma_start3A_208 = tpu.memref_squeeze %dma_start3A_207 : memref<1x1x64xi32, #tpu.memory_space<vmem>> -> memref<64xi32, #tpu.memory_space<vmem>>
    %dma_start3A_209 = arith.constant 0 : i32
    %dma_start3A_210 = arith.constant 0 : i32
    %dma_start3A_211 = tpu.memref_slice %arg4[%dma_start3A_209, %dma_start3A_210] : memref<10240x512xi32, #tpu.memory_space<hbm>> -> memref<10240x512xi32, #tpu.memory_space<hbm>>
    tpu.enqueue_indirect_dma source(%arg7 : memref<64x512xi32, #tpu.memory_space<vmem>>) target(%dma_start3A_211 : memref<10240x512xi32, #tpu.memory_space<hbm>>) offsets(%dma_start3A_208 : memref<64xi32, #tpu.memory_space<vmem>>) semaphore(%arg11 : memref<!tpu.dma_semaphore, #tpu.memory_space<semaphore_mem>>)
    %dma_wait3A_212 = arith.constant 64 : i32
    %dma_wait3A_213 = tpu.memref_slice %arg6[%dma_wait3A_212] : memref<256xi32, #tpu.memory_space<vmem>> -> memref<64xi32, #tpu.memory_space<vmem>>
    %dma_wait3A_214 = arith.constant 0 : i32
    %dma_wait3A_215 = arith.constant 0 : i32
    %dma_wait3A_216 = tpu.memref_slice %arg3[%dma_wait3A_214, %dma_wait3A_215] : memref<4096x512xi32, #tpu.memory_space<hbm>> -> memref<4096x512xi32, #tpu.memory_space<hbm>>
    tpu.wait_indirect_dma semaphore(%arg10 : memref<!tpu.dma_semaphore, #tpu.memory_space<semaphore_mem>>) src(%dma_wait3A_216 : memref<4096x512xi32, #tpu.memory_space<hbm>>) dst(%arg8 : memref<64x512xi32, #tpu.memory_space<vmem>>)
    %dma_wait3A_217 = arith.constant 0 : i32
    %dma_wait3A_218 = arith.constant 0 : i32
    %dma_wait3A_219 = arith.constant 0 : i32
    %dma_wait3A_220 = tpu.memref_slice %arg5[%dma_wait3A_217, %dma_wait3A_218, %dma_wait3A_219] : memref<4x1x64xi32, #tpu.memory_space<vmem>> -> memref<1x1x64xi32, #tpu.memory_space<vmem>>
    %dma_wait3A_221 = tpu.memref_squeeze %dma_wait3A_220 : memref<1x1x64xi32, #tpu.memory_space<vmem>> -> memref<64xi32, #tpu.memory_space<vmem>>
    %dma_wait3A_222 = arith.constant 0 : i32
    %dma_wait3A_223 = arith.constant 0 : i32
    %dma_wait3A_224 = tpu.memref_slice %arg4[%dma_wait3A_222, %dma_wait3A_223] : memref<10240x512xi32, #tpu.memory_space<hbm>> -> memref<10240x512xi32, #tpu.memory_space<hbm>>
    tpu.wait_indirect_dma semaphore(%arg11 : memref<!tpu.dma_semaphore, #tpu.memory_space<semaphore_mem>>) src(%arg7 : memref<64x512xi32, #tpu.memory_space<vmem>>) dst(%dma_wait3A_224 : memref<10240x512xi32, #tpu.memory_space<hbm>>)
    %dma_start3A_225 = arith.constant 128 : i32
    %dma_start3A_226 = tpu.memref_slice %arg6[%dma_start3A_225] : memref<256xi32, #tpu.memory_space<vmem>> -> memref<64xi32, #tpu.memory_space<vmem>>
    %dma_start3A_227 = arith.constant 0 : i32
    %dma_start3A_228 = arith.constant 0 : i32
    %dma_start3A_229 = tpu.memref_slice %arg3[%dma_start3A_227, %dma_start3A_228] : memref<4096x512xi32, #tpu.memory_space<hbm>> -> memref<4096x512xi32, #tpu.memory_space<hbm>>
    tpu.enqueue_indirect_dma source(%dma_start3A_229 : memref<4096x512xi32, #tpu.memory_space<hbm>>) target(%arg7 : memref<64x512xi32, #tpu.memory_space<vmem>>) offsets(%dma_start3A_226 : memref<64xi32, #tpu.memory_space<vmem>>) semaphore(%arg9 : memref<!tpu.dma_semaphore, #tpu.memory_space<semaphore_mem>>)
    %dma_start3A_230 = arith.constant 1 : i32
    %dma_start3A_231 = arith.constant 0 : i32
    %dma_start3A_232 = arith.constant 0 : i32
    %dma_start3A_233 = tpu.memref_slice %arg5[%dma_start3A_230, %dma_start3A_231, %dma_start3A_232] : memref<4x1x64xi32, #tpu.memory_space<vmem>> -> memref<1x1x64xi32, #tpu.memory_space<vmem>>
    %dma_start3A_234 = tpu.memref_squeeze %dma_start3A_233 : memref<1x1x64xi32, #tpu.memory_space<vmem>> -> memref<64xi32, #tpu.memory_space<vmem>>
    %dma_start3A_235 = arith.constant 0 : i32
    %dma_start3A_236 = arith.constant 0 : i32
    %dma_start3A_237 = tpu.memref_slice %arg4[%dma_start3A_235, %dma_start3A_236] : memref<10240x512xi32, #tpu.memory_space<hbm>> -> memref<10240x512xi32, #tpu.memory_space<hbm>>
    tpu.enqueue_indirect_dma source(%arg8 : memref<64x512xi32, #tpu.memory_space<vmem>>) target(%dma_start3A_237 : memref<10240x512xi32, #tpu.memory_space<hbm>>) offsets(%dma_start3A_234 : memref<64xi32, #tpu.memory_space<vmem>>) semaphore(%arg12 : memref<!tpu.dma_semaphore, #tpu.memory_space<semaphore_mem>>)
    %dma_wait3A_238 = arith.constant 128 : i32
    %dma_wait3A_239 = tpu.memref_slice %arg6[%dma_wait3A_238] : memref<256xi32, #tpu.memory_space<vmem>> -> memref<64xi32, #tpu.memory_space<vmem>>
    %dma_wait3A_240 = arith.constant 0 : i32
    %dma_wait3A_241 = arith.constant 0 : i32
    %dma_wait3A_242 = tpu.memref_slice %arg3[%dma_wait3A_240, %dma_wait3A_241] : memref<4096x512xi32, #tpu.memory_space<hbm>> -> memref<4096x512xi32, #tpu.memory_space<hbm>>
    tpu.wait_indirect_dma semaphore(%arg9 : memref<!tpu.dma_semaphore, #tpu.memory_space<semaphore_mem>>) src(%dma_wait3A_242 : memref<4096x512xi32, #tpu.memory_space<hbm>>) dst(%arg7 : memref<64x512xi32, #tpu.memory_space<vmem>>)
    %dma_wait3A_243 = arith.constant 1 : i32
    %dma_wait3A_244 = arith.constant 0 : i32
    %dma_wait3A_245 = arith.constant 0 : i32
    %dma_wait3A_246 = tpu.memref_slice %arg5[%dma_wait3A_243, %dma_wait3A_244, %dma_wait3A_245] : memref<4x1x64xi32, #tpu.memory_space<vmem>> -> memref<1x1x64xi32, #tpu.memory_space<vmem>>
    %dma_wait3A_247 = tpu.memref_squeeze %dma_wait3A_246 : memref<1x1x64xi32, #tpu.memory_space<vmem>> -> memref<64xi32, #tpu.memory_space<vmem>>
    %dma_wait3A_248 = arith.constant 0 : i32
    %dma_wait3A_249 = arith.constant 0 : i32
    %dma_wait3A_250 = tpu.memref_slice %arg4[%dma_wait3A_248, %dma_wait3A_249] : memref<10240x512xi32, #tpu.memory_space<hbm>> -> memref<10240x512xi32, #tpu.memory_space<hbm>>
    tpu.wait_indirect_dma semaphore(%arg12 : memref<!tpu.dma_semaphore, #tpu.memory_space<semaphore_mem>>) src(%arg8 : memref<64x512xi32, #tpu.memory_space<vmem>>) dst(%dma_wait3A_250 : memref<10240x512xi32, #tpu.memory_space<hbm>>)
    %dma_start3A_251 = arith.constant 192 : i32
    %dma_start3A_252 = tpu.memref_slice %arg6[%dma_start3A_251] : memref<256xi32, #tpu.memory_space<vmem>> -> memref<64xi32, #tpu.memory_space<vmem>>
    %dma_start3A_253 = arith.constant 0 : i32
    %dma_start3A_254 = arith.constant 0 : i32
    %dma_start3A_255 = tpu.memref_slice %arg3[%dma_start3A_253, %dma_start3A_254] : memref<4096x512xi32, #tpu.memory_space<hbm>> -> memref<4096x512xi32, #tpu.memory_space<hbm>>
    tpu.enqueue_indirect_dma source(%dma_start3A_255 : memref<4096x512xi32, #tpu.memory_space<hbm>>) target(%arg8 : memref<64x512xi32, #tpu.memory_space<vmem>>) offsets(%dma_start3A_252 : memref<64xi32, #tpu.memory_space<vmem>>) semaphore(%arg10 : memref<!tpu.dma_semaphore, #tpu.memory_space<semaphore_mem>>)
    %dma_start3A_256 = arith.constant 2 : i32
    %dma_start3A_257 = arith.constant 0 : i32
    %dma_start3A_258 = arith.constant 0 : i32
    %dma_start3A_259 = tpu.memref_slice %arg5[%dma_start3A_256, %dma_start3A_257, %dma_start3A_258] : memref<4x1x64xi32, #tpu.memory_space<vmem>> -> memref<1x1x64xi32, #tpu.memory_space<vmem>>
    %dma_start3A_260 = tpu.memref_squeeze %dma_start3A_259 : memref<1x1x64xi32, #tpu.memory_space<vmem>> -> memref<64xi32, #tpu.memory_space<vmem>>
    %dma_start3A_261 = arith.constant 0 : i32
    %dma_start3A_262 = arith.constant 0 : i32
    %dma_start3A_263 = tpu.memref_slice %arg4[%dma_start3A_261, %dma_start3A_262] : memref<10240x512xi32, #tpu.memory_space<hbm>> -> memref<10240x512xi32, #tpu.memory_space<hbm>>
    tpu.enqueue_indirect_dma source(%arg7 : memref<64x512xi32, #tpu.memory_space<vmem>>) target(%dma_start3A_263 : memref<10240x512xi32, #tpu.memory_space<hbm>>) offsets(%dma_start3A_260 : memref<64xi32, #tpu.memory_space<vmem>>) semaphore(%arg11 : memref<!tpu.dma_semaphore, #tpu.memory_space<semaphore_mem>>)
    %dma_wait3A_264 = arith.constant 192 : i32
    %dma_wait3A_265 = tpu.memref_slice %arg6[%dma_wait3A_264] : memref<256xi32, #tpu.memory_space<vmem>> -> memref<64xi32, #tpu.memory_space<vmem>>
    %dma_wait3A_266 = arith.constant 0 : i32
    %dma_wait3A_267 = arith.constant 0 : i32
    %dma_wait3A_268 = tpu.memref_slice %arg3[%dma_wait3A_266, %dma_wait3A_267] : memref<4096x512xi32, #tpu.memory_space<hbm>> -> memref<4096x512xi32, #tpu.memory_space<hbm>>
    tpu.wait_indirect_dma semaphore(%arg10 : memref<!tpu.dma_semaphore, #tpu.memory_space<semaphore_mem>>) src(%dma_wait3A_268 : memref<4096x512xi32, #tpu.memory_space<hbm>>) dst(%arg8 : memref<64x512xi32, #tpu.memory_space<vmem>>)
    %dma_wait3A_269 = arith.constant 2 : i32
    %dma_wait3A_270 = arith.constant 0 : i32
    %dma_wait3A_271 = arith.constant 0 : i32
    %dma_wait3A_272 = tpu.memref_slice %arg5[%dma_wait3A_269, %dma_wait3A_270, %dma_wait3A_271] : memref<4x1x64xi32, #tpu.memory_space<vmem>> -> memref<1x1x64xi32, #tpu.memory_space<vmem>>
    %dma_wait3A_273 = tpu.memref_squeeze %dma_wait3A_272 : memref<1x1x64xi32, #tpu.memory_space<vmem>> -> memref<64xi32, #tpu.memory_space<vmem>>
    %dma_wait3A_274 = arith.constant 0 : i32
    %dma_wait3A_275 = arith.constant 0 : i32
    %dma_wait3A_276 = tpu.memref_slice %arg4[%dma_wait3A_274, %dma_wait3A_275] : memref<10240x512xi32, #tpu.memory_space<hbm>> -> memref<10240x512xi32, #tpu.memory_space<hbm>>
    tpu.wait_indirect_dma semaphore(%arg11 : memref<!tpu.dma_semaphore, #tpu.memory_space<semaphore_mem>>) src(%arg7 : memref<64x512xi32, #tpu.memory_space<vmem>>) dst(%dma_wait3A_276 : memref<10240x512xi32, #tpu.memory_space<hbm>>)
    %dma_start3A_277 = arith.constant 3 : i32
    %dma_start3A_278 = arith.constant 0 : i32
    %dma_start3A_279 = arith.constant 0 : i32
    %dma_start3A_280 = tpu.memref_slice %arg5[%dma_start3A_277, %dma_start3A_278, %dma_start3A_279] : memref<4x1x64xi32, #tpu.memory_space<vmem>> -> memref<1x1x64xi32, #tpu.memory_space<vmem>>
    %dma_start3A_281 = tpu.memref_squeeze %dma_start3A_280 : memref<1x1x64xi32, #tpu.memory_space<vmem>> -> memref<64xi32, #tpu.memory_space<vmem>>
    %dma_start3A_282 = arith.constant 0 : i32
    %dma_start3A_283 = arith.constant 0 : i32
    %dma_start3A_284 = tpu.memref_slice %arg4[%dma_start3A_282, %dma_start3A_283] : memref<10240x512xi32, #tpu.memory_space<hbm>> -> memref<10240x512xi32, #tpu.memory_space<hbm>>
    tpu.enqueue_indirect_dma source(%arg8 : memref<64x512xi32, #tpu.memory_space<vmem>>) target(%dma_start3A_284 : memref<10240x512xi32, #tpu.memory_space<hbm>>) offsets(%dma_start3A_281 : memref<64xi32, #tpu.memory_space<vmem>>) semaphore(%arg12 : memref<!tpu.dma_semaphore, #tpu.memory_space<semaphore_mem>>)
    %dma_wait3A_285 = arith.constant 3 : i32
    %dma_wait3A_286 = arith.constant 0 : i32
    %dma_wait3A_287 = arith.constant 0 : i32
    %dma_wait3A_288 = tpu.memref_slice %arg5[%dma_wait3A_285, %dma_wait3A_286, %dma_wait3A_287] : memref<4x1x64xi32, #tpu.memory_space<vmem>> -> memref<1x1x64xi32, #tpu.memory_space<vmem>>
    %dma_wait3A_289 = tpu.memref_squeeze %dma_wait3A_288 : memref<1x1x64xi32, #tpu.memory_space<vmem>> -> memref<64xi32, #tpu.memory_space<vmem>>
    %dma_wait3A_290 = arith.constant 0 : i32
    %dma_wait3A_291 = arith.constant 0 : i32
    %dma_wait3A_292 = tpu.memref_slice %arg4[%dma_wait3A_290, %dma_wait3A_291] : memref<10240x512xi32, #tpu.memory_space<hbm>> -> memref<10240x512xi32, #tpu.memory_space<hbm>>
    tpu.wait_indirect_dma semaphore(%arg12 : memref<!tpu.dma_semaphore, #tpu.memory_space<semaphore_mem>>) src(%arg8 : memref<64x512xi32, #tpu.memory_space<vmem>>) dst(%dma_wait3A_292 : memref<10240x512xi32, #tpu.memory_space<hbm>>)
    return
  }
}

module attributes {stable_mosaic.version = 14 : i64} {
  func.func @_router_body(%arg0: i32, %arg1: memref<256x1024xf32, #tpu.memory_space<vmem>>, %arg2: memref<1024x1024xf32, #tpu.memory_space<vmem>>, %arg3: memref<1x1024xf32, #tpu.memory_space<vmem>>, %arg4: memref<1024x8xf32, #tpu.memory_space<vmem>>, %arg5: memref<1x8xf32, #tpu.memory_space<vmem>>, %arg6: memref<256x2xf32, #tpu.memory_space<vmem>>, %arg7: memref<256x2xi32, #tpu.memory_space<vmem>>, %arg8: memref<256x2xi32, #tpu.memory_space<vmem>>, %arg9: memref<1x8xi32, #tpu.memory_space<vmem>>, %arg10: memref<1x8xi32, #tpu.memory_space<vmem>>) attributes {dimension_semantics = [#tpu.dimension_semantics<arbitrary>], iteration_bounds = array<i64: 16>, scalar_prefetch = 0 : i64, scratch_operands = 1 : i64, tpu.core_type = #tpu.core_type<tc>, window_params = [{transform_indices = @transform_0, window_bounds = array<i64: 256, 1024>}, {pipeline_mode = #tpu.pipeline_mode<synchronous>, transform_indices = @transform_1, window_bounds = array<i64: 1024, 1024>}, {pipeline_mode = #tpu.pipeline_mode<synchronous>, transform_indices = @transform_2, window_bounds = array<i64: 1, 1024>}, {pipeline_mode = #tpu.pipeline_mode<synchronous>, transform_indices = @transform_3, window_bounds = array<i64: 1024, 8>}, {pipeline_mode = #tpu.pipeline_mode<synchronous>, transform_indices = @transform_4, window_bounds = array<i64: 1, 8>}, {transform_indices = @transform_5, window_bounds = array<i64: 256, 2>}, {transform_indices = @transform_6, window_bounds = array<i64: 256, 2>}, {transform_indices = @transform_7, window_bounds = array<i64: 256, 2>}, {pipeline_mode = #tpu.pipeline_mode<synchronous>, transform_indices = @transform_8, window_bounds = array<i64: 1, 8>}]} {
    %eq3A = arith.constant 0 : i32
    %eq3A_0 = arith.cmpi eq, %arg0, %eq3A : i32
    %convert_element_type3A = arith.extui %eq3A_0 : i1 to i32
    %cond3A = arith.constant 0 : i32
    %cond3A_1 = arith.cmpi ne, %convert_element_type3A, %cond3A : i32
    scf.if %cond3A_1 {
      %broadcast_in_dim3A_140 = arith.constant 0 : i32
      %broadcast_in_dim3A_141 = vector.broadcast %broadcast_in_dim3A_140 : i32 to vector<1x8xi32>
      %swap3A_142 = arith.constant 0 : index
      %swap3A_143 = arith.constant 0 : index
      %swap3A_144 = vector.load %arg10[%swap3A_142, %swap3A_143] : memref<1x8xi32, #tpu.memory_space<vmem>>, vector<1x8xi32>
      tpu.vector_store %arg10[%swap3A_142, %swap3A_143], %broadcast_in_dim3A_141 {strides = array<i32>} : memref<1x8xi32, #tpu.memory_space<vmem>>, vector<1x8xi32>,
    } else {
    }
    %get3A = arith.constant 0 : index
    %get3A_2 = arith.constant 0 : index
    %get3A_3 = vector.load %arg1[%get3A, %get3A_2] : memref<256x1024xf32, #tpu.memory_space<vmem>>, vector<256x1024xf32>
    %get3A_4 = arith.constant 0 : index
    %get3A_5 = arith.constant 0 : index
    %get3A_6 = vector.load %arg2[%get3A_4, %get3A_5] : memref<1024x1024xf32, #tpu.memory_space<vmem>>, vector<1024x1024xf32>
    %dot_general3A = arith.constant dense<0.000000e+00> : vector<256x1024xf32>
    %dot_general3A_7 = tpu.matmul %get3A_3, %get3A_6, %dot_general3A {dimension_numbers = #tpu.dot_dimension_numbers<[1], [0], [0], [1], [0, 0, 1, 1], [], []>, transpose_lhs_hint = false} : vector<256x1024xf32>, vector<1024x1024xf32>, vector<256x1024xf32> -> vector<256x1024xf32>
    %get3A_8 = arith.constant 0 : index
    %get3A_9 = arith.constant 0 : index
    %get3A_10 = vector.load %arg3[%get3A_8, %get3A_9] : memref<1x1024xf32, #tpu.memory_space<vmem>>, vector<1x1024xf32>
    %add3A = vector.broadcast %get3A_10 : vector<1x1024xf32> to vector<256x1024xf32>
    %add3A_11 = arith.addf %dot_general3A_7, %add3A : vector<256x1024xf32>
    %ge3A = arith.constant 0.000000e+00 : f32
    %ge3A_12 = vector.broadcast %ge3A : f32 to vector<256x1024xf32>
    %ge3A_13 = arith.cmpf oge, %add3A_11, %ge3A_12 : vector<256x1024xf32>
    %mul3A = arith.constant 0.00999999977 : f32
    %mul3A_14 = vector.broadcast %mul3A : f32 to vector<256x1024xf32>
    %mul3A_15 = arith.mulf %mul3A_14, %add3A_11 : vector<256x1024xf32>
    %select_n3A = arith.select %ge3A_13, %add3A_11, %mul3A_15 : vector<256x1024xi1>, vector<256x1024xf32>
    %get3A_16 = arith.constant 0 : index
    %get3A_17 = arith.constant 0 : index
    %get3A_18 = vector.load %arg4[%get3A_16, %get3A_17] : memref<1024x8xf32, #tpu.memory_space<vmem>>, vector<1024x8xf32>
    %dot_general3A_19 = arith.constant dense<0.000000e+00> : vector<256x8xf32>
    %dot_general3A_20 = tpu.matmul %select_n3A, %get3A_18, %dot_general3A_19 {dimension_numbers = #tpu.dot_dimension_numbers<[1], [0], [0], [1], [0, 0, 1, 1], [], []>, transpose_lhs_hint = false} : vector<256x1024xf32>, vector<1024x8xf32>, vector<256x8xf32> -> vector<256x8xf32>
    %get3A_21 = arith.constant 0 : index
    %get3A_22 = arith.constant 0 : index
    %get3A_23 = vector.load %arg5[%get3A_21, %get3A_22] : memref<1x8xf32, #tpu.memory_space<vmem>>, vector<1x8xf32>
    %add3A_24 = vector.broadcast %get3A_23 : vector<1x8xf32> to vector<256x8xf32>
    %add3A_25 = arith.addf %dot_general3A_20, %add3A_24 : vector<256x8xf32>
    %iota3A = tpu.iota {dimensions = array<i32: 1>} : vector<256x8xi32>
    %reduce_max3A = arith.constant dense<0xFF800000> : vector<256xf32>
    %reduce_max3A_26 = vector.multi_reduction <maximumf>, %add3A_25, %reduce_max3A [1] : vector<256x8xf32> to vector<256xf32>
    %broadcast_in_dim3A = vector.shape_cast %reduce_max3A_26 : vector<256xf32> to vector<256x1xf32>
    %eq3A_27 = vector.broadcast %broadcast_in_dim3A : vector<256x1xf32> to vector<256x8xf32>
    %eq3A_28 = arith.cmpf oeq, %add3A_25, %eq3A_27 : vector<256x8xf32>
    %jit3A = arith.constant 8 : i32
    %broadcast_in_dim3A_29 = vector.broadcast %jit3A : i32 to vector<256x8xi32>
    %select_n3A_30 = arith.select %eq3A_28, %iota3A, %broadcast_in_dim3A_29 : vector<256x8xi1>, vector<256x8xi32>
    %reduce_min3A = arith.constant dense<2147483647> : vector<256xi32>
    %reduce_min3A_31 = vector.multi_reduction <minsi>, %select_n3A_30, %reduce_min3A [1] : vector<256x8xi32> to vector<256xi32>
    %broadcast_in_dim3A_32 = vector.shape_cast %reduce_min3A_31 : vector<256xi32> to vector<256x1xi32>
    %eq3A_33 = vector.broadcast %broadcast_in_dim3A_32 : vector<256x1xi32> to vector<256x8xi32>
    %eq3A_34 = arith.cmpi eq, %iota3A, %eq3A_33 : vector<256x8xi32>
    %jit3A_35 = arith.constant 0xFF800000 : f32
    %broadcast_in_dim3A_36 = vector.broadcast %jit3A_35 : f32 to vector<256x8xf32>
    %select_n3A_37 = arith.select %eq3A_34, %broadcast_in_dim3A_36, %add3A_25 : vector<256x8xi1>, vector<256x8xf32>
    %reduce_max3A_38 = arith.constant dense<0xFF800000> : vector<256xf32>
    %reduce_max3A_39 = vector.multi_reduction <maximumf>, %select_n3A_37, %reduce_max3A_38 [1] : vector<256x8xf32> to vector<256xf32>
    %broadcast_in_dim3A_40 = vector.shape_cast %reduce_max3A_39 : vector<256xf32> to vector<256x1xf32>
    %eq3A_41 = vector.broadcast %broadcast_in_dim3A_40 : vector<256x1xf32> to vector<256x8xf32>
    %eq3A_42 = arith.cmpf oeq, %select_n3A_37, %eq3A_41 : vector<256x8xf32>
    %jit3A_43 = arith.constant 8 : i32
    %broadcast_in_dim3A_44 = vector.broadcast %jit3A_43 : i32 to vector<256x8xi32>
    %select_n3A_45 = arith.select %eq3A_42, %iota3A, %broadcast_in_dim3A_44 : vector<256x8xi1>, vector<256x8xi32>
    %reduce_min3A_46 = arith.constant dense<2147483647> : vector<256xi32>
    %reduce_min3A_47 = vector.multi_reduction <minsi>, %select_n3A_45, %reduce_min3A_46 [1] : vector<256x8xi32> to vector<256xi32>
    %broadcast_in_dim3A_48 = vector.shape_cast %reduce_min3A_47 : vector<256xi32> to vector<256x1xi32>
    %sub3A = arith.subf %broadcast_in_dim3A_40, %broadcast_in_dim3A : vector<256x1xf32>
    %exp3A = math.exp %sub3A : vector<256x1xf32>
    %add3A_49 = arith.constant 1.000000e+00 : f32
    %add3A_50 = vector.broadcast %add3A_49 : f32 to vector<256x1xf32>
    %add3A_51 = arith.addf %add3A_50, %exp3A : vector<256x1xf32>
    %div3A = arith.constant 1.000000e+00 : f32
    %div3A_52 = vector.broadcast %div3A : f32 to vector<256x1xf32>
    %div3A_53 = arith.divf %div3A_52, %add3A_51 : vector<256x1xf32>
    %add3A_54 = arith.constant 1.000000e+00 : f32
    %add3A_55 = vector.broadcast %add3A_54 : f32 to vector<256x1xf32>
    %add3A_56 = arith.addf %add3A_55, %exp3A : vector<256x1xf32>
    %div3A_57 = arith.divf %exp3A, %add3A_56 : vector<256x1xf32>
    %concatenate3A = tpu.concatenate %div3A_53, %div3A_57 in 1 : vector<256x1xf32>, vector<256x1xf32> -> vector<256x2xf32>
    %swap3A = arith.constant 0 : index
    %swap3A_58 = arith.constant 0 : index
    %swap3A_59 = vector.load %arg6[%swap3A, %swap3A_58] : memref<256x2xf32, #tpu.memory_space<vmem>>, vector<256x2xf32>
    tpu.vector_store %arg6[%swap3A, %swap3A_58], %concatenate3A {strides = array<i32>} : memref<256x2xf32, #tpu.memory_space<vmem>>, vector<256x2xf32>,
    %concatenate3A_60 = tpu.concatenate %broadcast_in_dim3A_32, %broadcast_in_dim3A_48 in 1 : vector<256x1xi32>, vector<256x1xi32> -> vector<256x2xi32>
    %swap3A_61 = arith.constant 0 : index
    %swap3A_62 = arith.constant 0 : index
    %swap3A_63 = vector.load %arg7[%swap3A_61, %swap3A_62] : memref<256x2xi32, #tpu.memory_space<vmem>>, vector<256x2xi32>
    tpu.vector_store %arg7[%swap3A_61, %swap3A_62], %concatenate3A_60 {strides = array<i32>} : memref<256x2xi32, #tpu.memory_space<vmem>>, vector<256x2xi32>,
    %eq3A_64 = vector.broadcast %broadcast_in_dim3A_32 : vector<256x1xi32> to vector<256x8xi32>
    %eq3A_65 = arith.cmpi eq, %iota3A, %eq3A_64 : vector<256x8xi32>
    %convert_element_type3A_66 = arith.extui %eq3A_65 : vector<256x8xi1> to vector<256x8xi32>
    %eq3A_67 = vector.broadcast %broadcast_in_dim3A_48 : vector<256x1xi32> to vector<256x8xi32>
    %eq3A_68 = arith.cmpi eq, %iota3A, %eq3A_67 : vector<256x8xi32>
    %convert_element_type3A_69 = arith.extui %eq3A_68 : vector<256x8xi1> to vector<256x8xi32>
    %add3A_70 = arith.addi %convert_element_type3A_66, %convert_element_type3A_69 : vector<256x8xi32>
    %broadcast_in_dim3A_71 = arith.constant 0 : i32
    %broadcast_in_dim3A_72 = vector.broadcast %broadcast_in_dim3A_71 : i32 to vector<1x8xi32>
    %slice3A = vector.extract_strided_slice %add3A_70 {offsets = [0, 0], sizes = [255, 8], strides = [1, 1]} : vector<256x8xi32> to vector<255x8xi32>
    %concatenate3A_73 = tpu.concatenate %broadcast_in_dim3A_72, %slice3A in 0 : vector<1x8xi32>, vector<255x8xi32> -> vector<256x8xi32>
    %add3A_74 = arith.addi %add3A_70, %concatenate3A_73 : vector<256x8xi32>
    %broadcast_in_dim3A_75 = arith.constant 0 : i32
    %broadcast_in_dim3A_76 = vector.broadcast %broadcast_in_dim3A_75 : i32 to vector<2x8xi32>
    %slice3A_77 = vector.extract_strided_slice %add3A_74 {offsets = [0, 0], sizes = [254, 8], strides = [1, 1]} : vector<256x8xi32> to vector<254x8xi32>
    %concatenate3A_78 = tpu.concatenate %broadcast_in_dim3A_76, %slice3A_77 in 0 : vector<2x8xi32>, vector<254x8xi32> -> vector<256x8xi32>
    %add3A_79 = arith.addi %add3A_74, %concatenate3A_78 : vector<256x8xi32>
    %broadcast_in_dim3A_80 = arith.constant 0 : i32
    %broadcast_in_dim3A_81 = vector.broadcast %broadcast_in_dim3A_80 : i32 to vector<4x8xi32>
    %slice3A_82 = vector.extract_strided_slice %add3A_79 {offsets = [0, 0], sizes = [252, 8], strides = [1, 1]} : vector<256x8xi32> to vector<252x8xi32>
    %concatenate3A_83 = tpu.concatenate %broadcast_in_dim3A_81, %slice3A_82 in 0 : vector<4x8xi32>, vector<252x8xi32> -> vector<256x8xi32>
    %add3A_84 = arith.addi %add3A_79, %concatenate3A_83 : vector<256x8xi32>
    %broadcast_in_dim3A_85 = arith.constant 0 : i32
    %broadcast_in_dim3A_86 = vector.broadcast %broadcast_in_dim3A_85 : i32 to vector<8x8xi32>
    %slice3A_87 = vector.extract_strided_slice %add3A_84 {offsets = [0, 0], sizes = [248, 8], strides = [1, 1]} : vector<256x8xi32> to vector<248x8xi32>
    %concatenate3A_88 = tpu.concatenate %broadcast_in_dim3A_86, %slice3A_87 in 0 : vector<8x8xi32>, vector<248x8xi32> -> vector<256x8xi32>
    %add3A_89 = arith.addi %add3A_84, %concatenate3A_88 : vector<256x8xi32>
    %broadcast_in_dim3A_90 = arith.constant 0 : i32
    %broadcast_in_dim3A_91 = vector.broadcast %broadcast_in_dim3A_90 : i32 to vector<16x8xi32>
    %slice3A_92 = vector.extract_strided_slice %add3A_89 {offsets = [0, 0], sizes = [240, 8], strides = [1, 1]} : vector<256x8xi32> to vector<240x8xi32>
    %concatenate3A_93 = tpu.concatenate %broadcast_in_dim3A_91, %slice3A_92 in 0 : vector<16x8xi32>, vector<240x8xi32> -> vector<256x8xi32>
    %add3A_94 = arith.addi %add3A_89, %concatenate3A_93 : vector<256x8xi32>
    %broadcast_in_dim3A_95 = arith.constant 0 : i32
    %broadcast_in_dim3A_96 = vector.broadcast %broadcast_in_dim3A_95 : i32 to vector<32x8xi32>
    %slice3A_97 = vector.extract_strided_slice %add3A_94 {offsets = [0, 0], sizes = [224, 8], strides = [1, 1]} : vector<256x8xi32> to vector<224x8xi32>
    %concatenate3A_98 = tpu.concatenate %broadcast_in_dim3A_96, %slice3A_97 in 0 : vector<32x8xi32>, vector<224x8xi32> -> vector<256x8xi32>
    %add3A_99 = arith.addi %add3A_94, %concatenate3A_98 : vector<256x8xi32>
    %broadcast_in_dim3A_100 = arith.constant 0 : i32
    %broadcast_in_dim3A_101 = vector.broadcast %broadcast_in_dim3A_100 : i32 to vector<64x8xi32>
    %slice3A_102 = vector.extract_strided_slice %add3A_99 {offsets = [0, 0], sizes = [192, 8], strides = [1, 1]} : vector<256x8xi32> to vector<192x8xi32>
    %concatenate3A_103 = tpu.concatenate %broadcast_in_dim3A_101, %slice3A_102 in 0 : vector<64x8xi32>, vector<192x8xi32> -> vector<256x8xi32>
    %add3A_104 = arith.addi %add3A_99, %concatenate3A_103 : vector<256x8xi32>
    %broadcast_in_dim3A_105 = arith.constant 0 : i32
    %broadcast_in_dim3A_106 = vector.broadcast %broadcast_in_dim3A_105 : i32 to vector<128x8xi32>
    %slice3A_107 = vector.extract_strided_slice %add3A_104 {offsets = [0, 0], sizes = [128, 8], strides = [1, 1]} : vector<256x8xi32> to vector<128x8xi32>
    %concatenate3A_108 = tpu.concatenate %broadcast_in_dim3A_106, %slice3A_107 in 0 : vector<128x8xi32>, vector<128x8xi32> -> vector<256x8xi32>
    %add3A_109 = arith.addi %add3A_104, %concatenate3A_108 : vector<256x8xi32>
    %sub3A_110 = arith.subi %add3A_109, %add3A_70 : vector<256x8xi32>
    %get3A_111 = arith.constant 0 : index
    %get3A_112 = arith.constant 0 : index
    %get3A_113 = vector.load %arg10[%get3A_111, %get3A_112] : memref<1x8xi32, #tpu.memory_space<vmem>>, vector<1x8xi32>
    %add3A_114 = vector.broadcast %get3A_113 : vector<1x8xi32> to vector<256x8xi32>
    %add3A_115 = arith.addi %sub3A_110, %add3A_114 : vector<256x8xi32>
    %mul3A_116 = arith.muli %convert_element_type3A_66, %add3A_115 : vector<256x8xi32>
    %reduce_sum3A = arith.constant dense<0> : vector<256xi32>
    %reduce_sum3A_117 = vector.multi_reduction <add>, %mul3A_116, %reduce_sum3A [1] : vector<256x8xi32> to vector<256xi32>
    %broadcast_in_dim3A_118 = vector.shape_cast %reduce_sum3A_117 : vector<256xi32> to vector<256x1xi32>
    %add3A_119 = arith.addi %sub3A_110, %convert_element_type3A_66 : vector<256x8xi32>
    %add3A_120 = vector.broadcast %get3A_113 : vector<1x8xi32> to vector<256x8xi32>
    %add3A_121 = arith.addi %add3A_119, %add3A_120 : vector<256x8xi32>
    %mul3A_122 = arith.muli %convert_element_type3A_69, %add3A_121 : vector<256x8xi32>
    %reduce_sum3A_123 = arith.constant dense<0> : vector<256xi32>
    %reduce_sum3A_124 = vector.multi_reduction <add>, %mul3A_122, %reduce_sum3A_123 [1] : vector<256x8xi32> to vector<256xi32>
    %broadcast_in_dim3A_125 = vector.shape_cast %reduce_sum3A_124 : vector<256xi32> to vector<256x1xi32>
    %concatenate3A_126 = tpu.concatenate %broadcast_in_dim3A_118, %broadcast_in_dim3A_125 in 1 : vector<256x1xi32>, vector<256x1xi32> -> vector<256x2xi32>
    %swap3A_127 = arith.constant 0 : index
    %swap3A_128 = arith.constant 0 : index
    %swap3A_129 = vector.load %arg8[%swap3A_127, %swap3A_128] : memref<256x2xi32, #tpu.memory_space<vmem>>, vector<256x2xi32>
    tpu.vector_store %arg8[%swap3A_127, %swap3A_128], %concatenate3A_126 {strides = array<i32>} : memref<256x2xi32, #tpu.memory_space<vmem>>, vector<256x2xi32>,
    %reduce_sum3A_130 = arith.constant dense<0> : vector<8xi32>
    %reduce_sum3A_131 = vector.multi_reduction <add>, %add3A_70, %reduce_sum3A_130 [0] : vector<256x8xi32> to vector<8xi32>
    %broadcast_in_dim3A_132 = vector.shape_cast %reduce_sum3A_131 : vector<8xi32> to vector<1x8xi32>
    %add3A_133 = arith.addi %get3A_113, %broadcast_in_dim3A_132 : vector<1x8xi32>
    %swap3A_134 = arith.constant 0 : index
    %swap3A_135 = arith.constant 0 : index
    %swap3A_136 = vector.load %arg10[%swap3A_134, %swap3A_135] : memref<1x8xi32, #tpu.memory_space<vmem>>, vector<1x8xi32>
    tpu.vector_store %arg10[%swap3A_134, %swap3A_135], %add3A_133 {strides = array<i32>} : memref<1x8xi32, #tpu.memory_space<vmem>>, vector<1x8xi32>,
    %swap3A_137 = arith.constant 0 : index
    %swap3A_138 = arith.constant 0 : index
    %swap3A_139 = vector.load %arg9[%swap3A_137, %swap3A_138] : memref<1x8xi32, #tpu.memory_space<vmem>>, vector<1x8xi32>
    tpu.vector_store %arg9[%swap3A_137, %swap3A_138], %add3A_133 {strides = array<i32>} : memref<1x8xi32, #tpu.memory_space<vmem>>, vector<1x8xi32>,
    return
  }
  func.func @transform_0(%arg0: i32) -> (i32, i32) {
    %c0_i32 = arith.constant 0 : i32
    %c0_i32_0 = arith.constant 0 : i32
    return %arg0, %c0_i32 : i32, i32
  }
  func.func @transform_1(%arg0: i32) -> (i32, i32) {
    %c0_i32 = arith.constant 0 : i32
    %c0_i32_0 = arith.constant 0 : i32
    %c0_i32_1 = arith.constant 0 : i32
    return %c0_i32, %c0_i32_0 : i32, i32
  }
  func.func @transform_2(%arg0: i32) -> (i32, i32) {
    %c0_i32 = arith.constant 0 : i32
    %c0_i32_0 = arith.constant 0 : i32
    %c0_i32_1 = arith.constant 0 : i32
    return %c0_i32, %c0_i32_0 : i32, i32
  }
  func.func @transform_3(%arg0: i32) -> (i32, i32) {
    %c0_i32 = arith.constant 0 : i32
    %c0_i32_0 = arith.constant 0 : i32
    %c0_i32_1 = arith.constant 0 : i32
    return %c0_i32, %c0_i32_0 : i32, i32
  }
  func.func @transform_4(%arg0: i32) -> (i32, i32) {
    %c0_i32 = arith.constant 0 : i32
    %c0_i32_0 = arith.constant 0 : i32
    %c0_i32_1 = arith.constant 0 : i32
    return %c0_i32, %c0_i32_0 : i32, i32
  }
  func.func @transform_5(%arg0: i32) -> (i32, i32) {
    %c0_i32 = arith.constant 0 : i32
    %c0_i32_0 = arith.constant 0 : i32
    return %arg0, %c0_i32 : i32, i32
  }
  func.func @transform_6(%arg0: i32) -> (i32, i32) {
    %c0_i32 = arith.constant 0 : i32
    %c0_i32_0 = arith.constant 0 : i32
    return %arg0, %c0_i32 : i32, i32
  }
  func.func @transform_7(%arg0: i32) -> (i32, i32) {
    %c0_i32 = arith.constant 0 : i32
    %c0_i32_0 = arith.constant 0 : i32
    return %arg0, %c0_i32 : i32, i32
  }
  func.func @transform_8(%arg0: i32) -> (i32, i32) {
    %c0_i32 = arith.constant 0 : i32
    %c0_i32_0 = arith.constant 0 : i32
    %c0_i32_1 = arith.constant 0 : i32
    return %c0_i32, %c0_i32_0 : i32, i32
  }
}

module attributes {stable_mosaic.version = 14 : i64} {
  func.func @_gmm_body(%arg0: i32, %arg1: memref<40xi32, #tpu.memory_space<smem>>, %arg2: memref<256x1024xbf16, #tpu.memory_space<vmem>>, %arg3: memref<1x1024x1024xbf16, #tpu.memory_space<vmem>>, %arg4: memref<1x1x1024xf32, #tpu.memory_space<vmem>>, %arg5: memref<256x1024xbf16, #tpu.memory_space<vmem>>) attributes {dimension_semantics = [#tpu.dimension_semantics<arbitrary>], iteration_bounds = array<i64: 40>, scalar_prefetch = 1 : i64, scratch_operands = 0 : i64, tpu.core_type = #tpu.core_type<tc>, window_params = [{transform_indices = @transform_0, window_bounds = array<i64: 256, 1024>}, {transform_indices = @transform_1, window_bounds = array<i64: 1, 1024, 1024>}, {transform_indices = @transform_2, window_bounds = array<i64: 1, 1, 1024>}, {transform_indices = @transform_3, window_bounds = array<i64: 256, 1024>}]} {
    %get3A = arith.constant 0 : index
    %get3A_0 = arith.constant 0 : index
    %get3A_1 = vector.load %arg2[%get3A, %get3A_0] : memref<256x1024xbf16, #tpu.memory_space<vmem>>, vector<256x1024xbf16>
    %get3A_2 = arith.constant 0 : index
    %get3A_3 = arith.constant 0 : index
    %get3A_4 = arith.constant 0 : index
    %get3A_5 = vector.load %arg3[%get3A_2, %get3A_3, %get3A_4] : memref<1x1024x1024xbf16, #tpu.memory_space<vmem>>, vector<1x1024x1024xbf16>
    %get3A_6 = vector.shape_cast %get3A_5 : vector<1x1024x1024xbf16> to vector<1024x1024xbf16>
    %dot_general3A = arith.constant dense<0.000000e+00> : vector<256x1024xf32>
    %dot_general3A_7 = tpu.matmul %get3A_1, %get3A_6, %dot_general3A {dimension_numbers = #tpu.dot_dimension_numbers<[1], [0], [0], [1], [0, 0, 1, 1], [], []>, transpose_lhs_hint = false} : vector<256x1024xbf16>, vector<1024x1024xbf16>, vector<256x1024xf32> -> vector<256x1024xf32>
    %get3A_8 = arith.constant 0 : index
    %get3A_9 = arith.constant 0 : index
    %get3A_10 = arith.constant 0 : index
    %get3A_11 = vector.load %arg4[%get3A_8, %get3A_9, %get3A_10] : memref<1x1x1024xf32, #tpu.memory_space<vmem>>, vector<1x1x1024xf32>
    %get3A_12 = vector.shape_cast %get3A_11 : vector<1x1x1024xf32> to vector<1x1024xf32>
    %add3A = vector.broadcast %get3A_12 : vector<1x1024xf32> to vector<256x1024xf32>
    %add3A_13 = arith.addf %dot_general3A_7, %add3A : vector<256x1024xf32>
    %convert_element_type3A = arith.truncf %add3A_13 : vector<256x1024xf32> to vector<256x1024xbf16>
    %swap3A = arith.constant 0 : index
    %swap3A_14 = arith.constant 0 : index
    %swap3A_15 = vector.load %arg5[%swap3A, %swap3A_14] : memref<256x1024xbf16, #tpu.memory_space<vmem>>, vector<256x1024xbf16>
    tpu.vector_store %arg5[%swap3A, %swap3A_14], %convert_element_type3A {strides = array<i32>} : memref<256x1024xbf16, #tpu.memory_space<vmem>>, vector<256x1024xbf16>,
    return
  }
  func.func @transform_0(%arg0: i32, %arg1: memref<40xi32, #tpu.memory_space<smem>>) -> (i32, i32) {
    %c0_i32 = arith.constant 0 : i32
    %c0_i32_0 = arith.constant 0 : i32
    return %arg0, %c0_i32 : i32, i32
  }
  func.func @transform_1(%arg0: i32, %arg1: memref<40xi32, #tpu.memory_space<smem>>) -> (i32, i32, i32) {
    %get3A = arith.index_cast %arg0 : i32 to index
    %get3A_0 = memref.load %arg1[%get3A] : memref<40xi32, #tpu.memory_space<smem>>
    %c0_i32 = arith.constant 0 : i32
    %c0_i32_1 = arith.constant 0 : i32
    %c0_i32_2 = arith.constant 0 : i32
    return %get3A_0, %c0_i32, %c0_i32_1 : i32, i32, i32
  }
  func.func @transform_2(%arg0: i32, %arg1: memref<40xi32, #tpu.memory_space<smem>>) -> (i32, i32, i32) {
    %get3A = arith.index_cast %arg0 : i32 to index
    %get3A_0 = memref.load %arg1[%get3A] : memref<40xi32, #tpu.memory_space<smem>>
    %c0_i32 = arith.constant 0 : i32
    %c0_i32_1 = arith.constant 0 : i32
    %c0_i32_2 = arith.constant 0 : i32
    return %get3A_0, %c0_i32, %c0_i32_1 : i32, i32, i32
  }
  func.func @transform_3(%arg0: i32, %arg1: memref<40xi32, #tpu.memory_space<smem>>) -> (i32, i32) {
    %c0_i32 = arith.constant 0 : i32
    %c0_i32_0 = arith.constant 0 : i32
    return %arg0, %c0_i32 : i32, i32
  }
}

</mosaic_0001>

<sc_bundles>
// kernel: kernel.5.cloned.1.call-start
scs
__scs_entry_jumppad:
0x0: {  	(pc) =	sbr.rel $0x88, $3  }
0x1: {  	(tag) =	ssettag $0x0;
	lr =	simm.s32 $0x1  }
0x2: {  	[smem:$0x3F9A] =	sst lr;
	_ =	strace $0xD0000000  }
0x3: {  	_ = 	snop  }
0x4: {  	_ = 	snop  }
0x5: {  	_ = 	snop  }
0x6: {  	_ = 	snop  }
0x7: {  	_ = 	snop  }
__scs_overlays_trampoline_lowered:
0x8: {  	[smem:$0x3FA9] =	sst s0  }
0x9: {  	[smem:$0x3FAA] =	sst s1  }
0xa: {  	[smem:$0x3FAB] =	sst s2  }
0xb: {  	[smem:$0x3FAC] =	sst s3  }
0xc: {  	[smem:$0x3FAD] =	sst s4  }
0xd: {  	[smem:$0x3FAE] =	sst s5  }
0xe: {  	[smem:$0x3FAF] =	sst s6  }
0xf: {  	[smem:$0x3FB0] =	sst s7  }
0x10: {  	[smem:$0x3FB1] =	sst s8  }
0x11: {  	[smem:$0x3FB2] =	sst s9;
	s0 =	simm.s32 @!p0 $0x0  }
0x12: {  	s1 =	sld [smem:$0x3F98];
	s0 =	simm.s32 @p0 $0x1  }
0x13: {  	[smem:$0x3FB3] =	sst s0;
	s0 =	simm.s32 @!p1 $0x0  }
0x14: {  	s2 =	sld [smem:$0x3F97];
	s0 =	simm.s32 @p1 $0x1  }
0x15: {  	[smem:$0x3FB4] =	sst s0;
	s0 =	simm.s32 @!p2 $0x0  }
0x16: {  	s3 =	sld [smem:$0x3FDB];
	s0 =	simm.s32 @p2 $0x1  }
0x17: {  	s4 =	simm.s32 $0x1BF5;
	[smem:$0x3FB6] =	sst s0  }
0x18: {  	s0 =	sld [smem:$0x3F99];
	_ =	swait.ge [sflag:s4], $0x0  }
0x19: {  	s7 =	sld [smem:$0x3F9A]  }
0x1a: {  	s8 =	sadd.s32 $0xFFFFE003, lr  }
0x1b: {  	s9 =	sadd.s32 $0xFFFFFEF7, lr;
	s5 =	simm.s32 $0xFFFFFFFF;
	p2 =	slt.u32 s8, $0xFFFFF086  }
0x1c: {  	p1 =	slt.u32 s9, $0xF7A;
	s5 =	simm.s32 @!p2 $0x0  }
0x1d: {  	s5 =	simm.s32 @p1 $0x1;
	p0 =	seq.s32 s7, s2  }
0x1e: {  	s7 =	smul.u32 @!p0 $0xF7A, s2;
	p2 =	seq.s32 @!p0 s5, $0x0  }
0x1f: {  	s9 =	smul.u32 $0xF7A, s1;
	s8 =	simm.s32 @!p0 $0x1BF5;
	p2 =	por !p2, p0  }
0x20: {  	[sflag:s8] =	ssyncset.s32 @!p0 $0xFFFFF086;
	s6 =	sadd.s32 @!p0 s3, s7;
	s7 =	simm.s32 @!p0 $0x108  }
0x21: {  	s3 =	sadd.s32 s3, s9;
	s6 =	sadd.s32 @!p0 $0x88, s6;
	s7 =	simm.s32 @p2 $0x1082  }
0x22: {  	[simem:s7], [sflag:s8] =	dma.local @!p0 [hbm:s6], $0xF7A  }
0x23: {  	s9 =	sor.u32 $0xD0000000, s2;
	s6 =	simm.s32 $0x108;
	_ =	swait.ge @!p0 [sflag:s8], $0x0  }
0x24: {  	s3 =	sadd.s32 $0x88, s3;
	s6 =	simm.s32 @!p1 $0x1082;
	[sflag:s4] =	ssyncset.s32 $0xFFFFF086  }
0x25: {  	[simem:s6], [sflag:s4] =	dma.local [hbm:s3], $0xF7A  }
0x26: {  	[smem:$0x3F9A] =	sst s1;
	(tag) =	ssettag s2;
	_ =	strace s9  }
0x27: {  	s1 =	sld [smem:$0x3FAA]  }
0x28: {  	s2 =	sld [smem:$0x3FAB]  }
0x29: {  	s4 =	sld [smem:$0x3FAD]  }
0x2a: {  	p0 =	seq.s32 s5, $0x0;
	s5 =	sld [smem:$0x3FAE]  }
0x2b: {  	s6 =	sld [smem:$0x3FAF]  }
0x2c: {  	s7 =	sld [smem:$0x3FB0]  }
0x2d: {  	s3 =	simm.s32 $0x108;
	s8 =	sld [smem:$0x3FB1]  }
0x2e: {  	s3 =	simm.s32 @!p0 $0x1082;
	s9 =	sld [smem:$0x3FB2]  }
0x2f: {  	lr =	sadd.s32 s0, s3;
	s0 =	sld [smem:$0x3FA9]  }
0x30: {  	s3 =	sld [smem:$0x3FAC]  }
0x31: {  	[smem:$0x3FB5] =	sst s10  }
0x32: {  	s10 =	sld [smem:$0x3FB3];
	_ =	sdelay $0x3  }
0x33: {  	p0 =	seq.s32 s10, $0x1;
	s10 =	sld [smem:$0x3FB5];
	_ =	sdelay $0x3  }
0x34: {  	[smem:$0x3FB5] =	sst s10  }
0x35: {  	s10 =	sld [smem:$0x3FB4];
	_ =	sdelay $0x3  }
0x36: {  	p1 =	seq.s32 s10, $0x1;
	s10 =	sld [smem:$0x3FB5];
	_ =	sdelay $0x3  }
0x37: {  	[smem:$0x3FB5] =	sst s10  }
0x38: {  	s10 =	sld [smem:$0x3FB6]  }
0x39: {  	_ = 	snop;
	(pc) =	sbr.ind lr, $3  }
0x3a: {  	_ = 	snop  }
0x3b: {  	_ = 	snop  }
0x3c: {  	p2 =	seq.s32 s10, $0x1;
	s10 =	sld [smem:$0x3FB5]  }
0x3d: {  	_ =	shalt  }
0x3e: {  	_ =	shalt  }
0x3f: {  	_ =	shalt  }
0x40: {  	_ =	shalt  }
0x41: {  	_ =	shalt  }
0x42: {  	_ =	shalt  }
0x43: {  	_ =	shalt  }
0x44: {  	_ =	shalt  }
0x45: {  	_ =	shalt  }
0x46: {  	_ =	shalt  }
0x47: {  	_ =	shalt  }
0x48: {  	_ =	shalt  }
0x49: {  	_ =	shalt  }
0x4a: {  	_ =	shalt  }
0x4b: {  	_ =	shalt  }
0x4c: {  	_ =	shalt  }
0x4d: {  	_ =	shalt  }
0x4e: {  	_ =	shalt  }
0x4f: {  	_ =	shalt  }
0x50: {  	_ =	shalt  }
0x51: {  	_ =	shalt  }
0x52: {  	_ =	shalt  }
0x53: {  	_ =	shalt  }
0x54: {  	_ =	shalt  }
0x55: {  	_ =	shalt  }
0x56: {  	_ =	shalt  }
0x57: {  	_ =	shalt  }
0x58: {  	_ =	shalt  }
0x59: {  	_ =	shalt  }
0x5a: {  	_ =	shalt  }
0x5b: {  	_ =	shalt  }
0x5c: {  	_ =	shalt  }
0x5d: {  	_ =	shalt  }
0x5e: {  	_ =	shalt  }
0x5f: {  	_ =	shalt  }
0x60: {  	_ =	shalt  }
0x61: {  	_ =	shalt  }
0x62: {  	_ =	shalt  }
0x63: {  	_ =	shalt  }
0x64: {  	_ =	shalt  }
0x65: {  	_ =	shalt  }
0x66: {  	_ =	shalt  }
0x67: {  	_ =	shalt  }
0x68: {  	_ =	shalt  }
0x69: {  	_ =	shalt  }
0x6a: {  	_ =	shalt  }
0x6b: {  	_ =	shalt  }
0x6c: {  	_ =	shalt  }
0x6d: {  	_ =	shalt  }
0x6e: {  	_ =	shalt  }
0x6f: {  	_ =	shalt  }
0x70: {  	_ =	shalt  }
0x71: {  	_ =	shalt  }
0x72: {  	_ =	shalt  }
0x73: {  	_ =	shalt  }
0x74: {  	_ =	shalt  }
0x75: {  	_ =	shalt  }
0x76: {  	_ =	shalt  }
0x77: {  	_ =	shalt  }
0x78: {  	_ =	shalt  }
0x79: {  	_ =	shalt  }
0x7a: {  	_ =	shalt  }
0x7b: {  	_ =	shalt  }
0x7c: {  	_ =	shalt  }
0x7d: {  	_ =	shalt  }
0x7e: {  	_ =	shalt  }
0x7f: {  	_ =	shalt  }
0x80: {  	_ =	shalt  }
0x81: {  	_ =	shalt  }
0x82: {  	_ =	shalt  }
0x83: {  	_ =	shalt  }
0x84: {  	_ =	shalt  }
0x85: {  	_ =	shalt  }
0x86: {  	_ =	shalt  }
0x87: {  	_ =	shalt  }
.Lfunc_end0:
.L_simem_size_0:
called_computation.1_lowered:
.L_overlay_start_0:
0x88: {  	s2 =	sld [smem:$0x3FD9]  }
0x89: {  	s3 =	sld [smem:$0x3FFE];
	_ =	sdelay $0x1  }
0x8a: {  	s1 =	srdreg.scid  }
0x8b: {  	s0 =	sand.u32 $0x1, s1  }
0x8c: {  	s16 =	sshll.u32 s0, $0xA;
	s2 =	sadd.s32 s3, s2  }
0x8d: {  	s2 =	sadd.s32 s2, s16  }
0x8e: {  	[smem:$0x3FC1] =	sst s2  }
0x8f: {  	_ = 	snop  }
0x90: {  	(tm) =	ssettm $0x1  }
0x91: {  	s17 =	sld [smem:$0x3FFB];
	_ =	sdelay $0x3  }
0x92: {  	_ =	strace s17  }
0x93: {  	s2 =	sld [smem:$0x3FFC];
	_ =	sdelay $0x3  }
0x94: {  	_ =	strace s2  }
0x95: {  	s2 =	sld [smem:$0x3FFD];
	_ =	sdelay $0x3  }
0x96: {  	_ =	strace s2  }
0x97: {  	_ =	strace $0x8FFFFFFF  }
0x98: {  	s18 =	sld [smem:$0x3FDB];
	_ =	sdelay $0x1  }
0x99: {  	s19 =	simm.s32 $_scs_section_size  }
0x9a: {  	s4 =	simm.s32 $_size__tile_overlayer_lowered;
	s5 =	simm.s32 $_tile_overlayer_lowered  }
0x9b: {  	s22 =	simm.s32 $0x1BFF;
	s21 =	sshll.u32 s5, $0x1;
	s2 =	sadd.s32 s19, s18  }
0x9c: {  	s6 =	simm.s32 $0x0;
	s20 =	sshll.u32 s4, $0x1;
	s4 =	sadd.s32 s21, s2  }
0x9d: {  	[timem:s6], [sflag:s22] =	dma.local [hbm:s4], s20  }
0x9e: {  	_ =	swait.ge [sflag:s22], s20  }
0x9f: {  	s3 =	ssub.s32 $0x0, s20;
	[sflag:s22] =	ssyncset.done $0x0  }
0xa0: {  	[sflag:s22] =	ssyncadd.s32 s3;
	_ =	sdelay $0x1  }
0xa1: {  	s23 =	simm.s32 $0x1B8B  }
0xa2: {  	_ =	swait.ge [sflag:s23], $0x1  }
0xa3: {  	[sflag:s23] =	ssyncset.done $0x0  }
0xa4: {  	s25 =	simm.s32 $0x1B8E;
	s24 =	sld [smem:$0x3FFE];
	[sflag:s23] =	ssyncadd.s32 $0xFFFFFFFF  }
0xa5: {  	s26 =	simm.s32 $execute0_lowered;
	[smem:$0x3FD2] =	sst s25  }
0xa6: {  	s4 =	sshll.u32 s26, $0x1;
	_ =	strace $0x80000046;
	[dreg:$0x1] =	wrdreg $0xFFFFFFFF  }
0xa7: {  	s28 =	simm.s32 $_size_execute0_lowered;
	s2 =	sadd.s32 s2, s4;
	[dreg:$0x0] =	wrdreg $0x0  }
0xa8: {  	s4 =	sshll.u32 s28, $0x1;
	[dreg:$0x2] =	wrdreg s2  }
0xa9: {  	[dreg:$0x3] =	wrdreg s4  }
0xaa: {  	[dreg:$0x4] =	wrdreg $0xC0  }
0xab: {  	_ =	task [dreg:s6], $0x5FFFF  }
0xac: {  	[dreg:$0x1] =	wrdreg $0xFFFFFFFF  }
0xad: {  	[dreg:$0x0] =	wrdreg $0x60  }
0xae: {  	[dreg:$0x2] =	wrdreg s24  }
0xaf: {  	[dreg:$0x3] =	wrdreg $0x9  }
0xb0: {  	_ =	task.clear_ibuf [dreg:s6], $0x4FFFF;
	_ =	strace $0x90000046  }
0xb1: {  	s29 =	simm.s32 $0x9;
	_ =	strace $0x80000048  }
0xb2: {  	_ =	swait.ge [sflag:s29], $0x1  }
0xb3: {  	[sflag:s29] =	ssyncadd.s32 $0xFFFFFFFF  }
0xb4: {  	_ =	strace $0x90000048  }
0xb5: {  	_ =	sfence  }
0xb6: {  	s30 =	sld [smem:$0x0];
	_ =	sdelay $0x2  }
0xb7: {  	s31 =	sshll.u32 s1, $0xD;
	s1 =	sshrl.u32 s1, $0x2  }
0xb8: {  	s3 =	sand.u32 $0x4000, s31;
	s1 =	sadd.s32 s1, s30  }
0xb9: {  	s0 =	sor.u32 s3, s0;
	s1 =	sshll.u32 s1, $0x11  }
0xba: {  	s0 =	sor.u32 s1, s0  }
0xbb: {  	s0 =	sadd.s32 $0x8F2B, s0  }
0xbc: {  	[sflag:s0] =	ssyncadd.remote.s32 $0x1  }
0xbd: {  	_ =	sfence.sel $0xFFFF  }
0xbe: {  	[dreg:$0x0] =	wrdreg $0xFFFFFFFF;
	(pc) =	sbr.abs _section_cstart, $3  }
0xbf: {  	[dreg:$0x1] =	wrdreg $0xFFFFFFFF  }
0xc0: {  	_ =	task.clear_ibuf [dreg:s6], $0x2FFFF;
	_ =	strace $0x9FFFFFFF  }
0xc1: {  	(tm) =	ssettm $0x7FFFFFFF  }
tec
execute0_lowered:
.L_overlay_start_1:
0x0: {  	(tag) =	ssettag $0x1  }
0x1: {  	s1 =	rddreg [dreg:$0x0]  }
0x2: {  	s0 =	srdreg.scid;
	s2 =	simm.s32 $0x0;
	s3 =	stileid.u32  }
0x3: {  	s21 =	simm.s32 $0x80;
	s28 =	simm.s32 $0x2B00;
	s0 =	sand.u32 $0x1, s0  }
0x4: {  	s3 =	sshll.u32 s3, $0x9;
	s4 =	sshll.u32 s0, $0x8;
	s8 =	ssub.s32 $0x2, s0  }
0x5: {  	v14 =	vlaneseq.u32;
	s29 =	simm.s32 $0x3300;
	s6 =	sor.u32 s4, s3;
	s12 =	sshrl.u32 s8, $0x1  }
0x6: {  	vm0 =	vmmov $0xffff;
	s8 =	ssub.s32 s8, s12;
	s12 =	sor.u32 $0x10, s6;
	s22 =	sor.u32 $0x20, s6;
	v11 =	vmov s6;
	v0 =	vor.u32 s6, v14  }
0x7: {  	s9 =	sor.u32 $0x80, s6;
	s13 =	sor.u32 $0x60, s6;
	s14 =	sor.u32 $0x70, s6;
	v1 =	vor.u32 s12, v14;
	v0 =	vshrl.u32 v0, $0x1;
	v2 =	vor.u32 s22, v14  }
0x8: {  	s15 =	sor.u32 $0x90, s6;
	s16 =	sor.u32 $0xA0, s6;
	s17 =	sor.u32 $0xB0, s6;
	v6 =	vor.u32 s13, v14;
	v7 =	vor.u32 s14, v14;
	v8 =	vor.u32 s9, v14  }
0x9: {  	s0 =	sor.u32 $0xC0, s6;
	s18 =	sor.u32 $0xD0, s6;
	s19 =	sor.u32 $0xE0, s6;
	v9 =	vor.u32 s15, v14;
	v10 =	vor.u32 s16, v14;
	v12 =	vor.u32 s17, v14  }
0xa: {  	s5 =	sadd.s32 $0x2200, s1;
	s7 =	sshrl.u32 s6, $0x3;
	s20 =	sor.u32 $0xF0, s6;
	v13 =	vor.u32 s0, v14;
	v16 =	vor.u32 s18, v14;
	v17 =	vor.u32 s19, v14  }
0xb: {  	[smem:$0x7FF] =	sst s2;
	s23 =	sadd.s32 s5, s7;
	s7 =	sor.u32 $0x40, s6;
	v18 =	vor.u32 s20, v14;
	v19 =	vshll.u32 v11, $0x1;
	v1 =	vshrl.u32 v1, $0x1  }
0xc: {  	s30 =	simm.s32 $0x3B00;
	s31 =	simm.s32 $0x4300;
	_ =	strace $0x80000047;
	v2 =	vshrl.u32 v2, $0x1;
	v4 =	vor.u32 s7, v14;
	v6 =	vshrl.u32 v6, $0x1  }
0xd: {  	[dreg:$0x6] =	wrdreg s21;
	s3 =	sadd.s32 $0x3200, s1;
	s4 =	sadd.s32 $0x43200, s1;
	v7 =	vshrl.u32 v7, $0x1;
	v8 =	vshrl.u32 v8, $0x1;
	v9 =	vshrl.u32 v9, $0x1  }
0xe: {  	s11 =	sshrl.u32 s9, $0x3;
	s26 =	sshrl.u32 s0, $0x3;
	[dreg:$0x2] =	wrdreg s23;
	v10 =	vshrl.u32 v10, $0x1;
	v15 =	vand.u32 $0x7, v0;
	v11 =	vshrl.u32 v12, $0x1  }
0xf: {  	s24 =	sshrl.u32 s7, $0x3;
	s25 =	sadd.s32 s5, s11;
	s23 =	sor.u32 $0x30, s6;
	v12 =	vshrl.u32 v13, $0x1;
	v13 =	vand.u32 $0x7, v14;
	v16 =	vshrl.u32 v16, $0x1  }
0x10: {  	v17 =	vshrl.u32 v17, $0x1;
	s10 =	sadd.s32 s5, s24;
	[dreg:$0x4] =	wrdreg s25;
	s24 =	sor.u32 $0x50, s6;
	v3 =	vor.u32 s23, v14;
	v19 =	vor.u32 v15, v19  }
0x11: {  	s7 =	smax.u32 s8, $0x1;
	s5 =	sadd.s32 s5, s26;
	v15 =	vshrl.u32 v14, $0x3;
	[dreg:$0x3] =	wrdreg s10;
	v5 =	vor.u32 s24, v14;
	v14 =	vor.u32 $0x8, v14  }
0x12: {  	s8 =	simm.s32 $0x5;
	s25 =	simm.s32 $0x100;
	[dreg:$0x5] =	wrdreg s5;
	v20 =	vperm.xlane v19, v13;
	v15 =	vmul.u32 $0x8, v15;
	v21 =	vperm.xlane v19, v14  }
0x13: {  	v18 =	vshrl.u32 v18, $0x1;
	s6 =	sadd.s32 $0x43300, s1;
	s26 =	simm.s32 $0x180;
	v4 =	vshrl.u32 v4, $0x1;
	[dreg:$0x7] =	wrdreg s25;
	v3 =	vshrl.u32 v3, $0x1  }
0x14: {  	s5 =	sadd.s32 $0x3300, s1;
	[dreg:$0x8] =	wrdreg s26;
	s1 =	simm.s32 $0x3;
	v5 =	vshrl.u32 v5, $0x1;
	v19 =	vadd.s32 v15, v20;
	v20 =	vadd.s32 v15, v21  }
.LBB2_1:
0x15: {  	s21 =	rddreg [dreg:$0x2]  }
0x16: {  	[tilespmem:s2], [sflag:$0x5] =	stream.linear.gather [hbm4b:s21+s2], $0x40, $0x38;
	[tilespmem:$0x10300] =	vst v63  }
0x17: {  	_ =	swait.ge [sflag:s8], $0x40  }
0x18: {  	s11 =	rddreg [dreg:$0x3];
	[sflag:s8] =	ssyncset.done $0x0  }
0x19: {  	s22 =	rddreg [dreg:$0x6];
	[sflag:s8] =	ssyncadd.s32 $0xFFFFFFC0  }
0x1a: {  	[tilespmem:s22], [sflag:$0x5] =	stream.linear.gather [hbm4b:s11+s2], $0x40, $0x38;
	[tilespmem:$0x10300] =	vst v63  }
0x1b: {  	_ =	swait.ge [sflag:s8], $0x40  }
0x1c: {  	s12 =	rddreg [dreg:$0x4];
	[sflag:s8] =	ssyncset.done $0x0  }
0x1d: {  	s13 =	rddreg [dreg:$0x7];
	[sflag:s8] =	ssyncadd.s32 $0xFFFFFFC0  }
0x1e: {  	[tilespmem:s13], [sflag:$0x5] =	stream.linear.gather [hbm4b:s12+s2], $0x40, $0x38;
	[tilespmem:$0x10300] =	vst v63  }
0x1f: {  	_ =	swait.ge [sflag:s8], $0x40  }
0x20: {  	s14 =	rddreg [dreg:$0x5];
	[sflag:s8] =	ssyncset.done $0x0  }
0x21: {  	s15 =	rddreg [dreg:$0x8];
	[sflag:s8] =	ssyncadd.s32 $0xFFFFFFC0  }
0x22: {  	[tilespmem:s15], [sflag:$0x5] =	stream.linear.gather [hbm4b:s14+s2], $0x40, $0x38;
	[tilespmem:$0x10300] =	vst v63  }
0x23: {  	_ =	swait.ge [sflag:s8], $0x40  }
0x24: {  	[sflag:s8] =	ssyncset.done $0x0  }
0x25: {  	[sflag:s8] =	ssyncadd.s32 $0xFFFFFFC0  }
0x26: {  	[tilespmem:$0x200] =	vst v0  }
0x27: {  	[tilespmem:$0x210] =	vst v1  }
0x28: {  	[tilespmem:$0x220] =	vst v2  }
0x29: {  	[tilespmem:$0x230] =	vst v3  }
0x2a: {  	[tilespmem:$0x240] =	vst v4  }
0x2b: {  	[tilespmem:$0x250] =	vst v5  }
0x2c: {  	[tilespmem:$0x260] =	vst v6  }
0x2d: {  	[tilespmem:$0x270] =	vst v7  }
0x2e: {  	[tilespmem:$0x280] =	vst v8  }
0x2f: {  	[tilespmem:$0x290] =	vst v9  }
0x30: {  	[tilespmem:$0x2A0] =	vst v10  }
0x31: {  	[tilespmem:$0x2B0] =	vst v11  }
0x32: {  	[tilespmem:$0x2C0] =	vst v12  }
0x33: {  	[tilespmem:$0x2D0] =	vst v16  }
0x34: {  	[tilespmem:$0x2E0] =	vst v17  }
0x35: {  	s0 =	simm.s32 $0x300;
	[tilespmem:$0x2F0] =	vst v18  }
0x36: {  	[tilespmem:s0], [sflag:$0x1] =	stream.indirect_vreg.gather [hbm4b:s3+s2], $0x80, v19, vm0, $0xb8;
	[tilespmem:$0x10300] =	vst v63  }
0x37: {  	s16 =	simm.s32 $0xB00  }
0x38: {  	[tilespmem:s16], [sflag:$0x1] =	stream.indirect_vreg.gather [hbm4b:s5+s2], $0x80, v19, vm0, $0xb8;
	[tilespmem:$0x10300] =	vst v63  }
0x39: {  	s17 =	simm.s32 $0x1300  }
0x3a: {  	[tilespmem:s17], [sflag:$0x1] =	stream.indirect_vreg.gather [hbm4b:s3+s2], $0x80, v20, vm0, $0xb8;
	[tilespmem:$0x10300] =	vst v63  }
0x3b: {  	s18 =	simm.s32 $0x1B00  }
0x3c: {  	[tilespmem:s18], [sflag:$0x1] =	stream.indirect_vreg.gather [hbm4b:s5+s2], $0x80, v20, vm0, $0xb8;
	[tilespmem:$0x10300] =	vst v63  }
0x3d: {  	v21 =	vld [tilespmem:$0x210];
	_ =	sdelay $0x4  }
0x3e: {  	v22 =	vshll.u32 v21, $0x2  }
0x3f: {  	v21 =	vand.u32 $0x7, v21;
	v22 =	vand.u32 $0xFFFFFFE0, v22  }
0x40: {  	v21 =	vor.u32 v21, v22  }
0x41: {  	v22 =	vperm.xlane v21, v13;
	_ =	sdelay $0x1  }
0x42: {  	v22 =	vadd.s32 v15, v22;
	_ =	sdelay $0x1  }
0x43: {  	v21 =	vperm.xlane v21, v14;
	_ =	sdelay $0x1  }
0x44: {  	s19 =	simm.s32 $0x2300;
	v21 =	vadd.s32 v15, v21  }
0x45: {  	[tilespmem:s19], [sflag:$0x1] =	stream.indirect_vreg.gather [hbm4b:s3+s2], $0x80, v22, vm0, $0xb8;
	[tilespmem:$0x10300] =	vst v63  }
0x46: {  	_ = 	snop  }
0x47: {  	[tilespmem:s28], [sflag:$0x1] =	stream.indirect_vreg.gather [hbm4b:s5+s2], $0x80, v22, vm0, $0xb8;
	[tilespmem:$0x10300] =	vst v63  }
0x48: {  	_ = 	snop  }
0x49: {  	[tilespmem:s29], [sflag:$0x1] =	stream.indirect_vreg.gather [hbm4b:s3+s2], $0x80, v21, vm0, $0xb8;
	[tilespmem:$0x10300] =	vst v63  }
0x4a: {  	_ = 	snop  }
0x4b: {  	[tilespmem:s30], [sflag:$0x1] =	stream.indirect_vreg.gather [hbm4b:s5+s2], $0x80, v21, vm0, $0xb8;
	[tilespmem:$0x10300] =	vst v63  }
0x4c: {  	v21 =	vld [tilespmem:$0x220];
	_ =	sdelay $0x4  }
0x4d: {  	v22 =	vshll.u32 v21, $0x2  }
0x4e: {  	v21 =	vand.u32 $0x7, v21;
	v22 =	vand.u32 $0xFFFFFFE0, v22  }
0x4f: {  	v21 =	vor.u32 v21, v22  }
0x50: {  	v22 =	vperm.xlane v21, v13;
	_ =	sdelay $0x1  }
0x51: {  	v22 =	vadd.s32 v15, v22;
	_ =	sdelay $0x1  }
0x52: {  	v21 =	vperm.xlane v21, v14;
	_ =	sdelay $0x1  }
0x53: {  	v21 =	vadd.s32 v15, v21  }
0x54: {  	[tilespmem:s31], [sflag:$0x1] =	stream.indirect_vreg.gather [hbm4b:s3+s2], $0x80, v22, vm0, $0xb8;
	[tilespmem:$0x10300] =	vst v63  }
0x55: {  	s20 =	simm.s32 $0x4B00  }
0x56: {  	[tilespmem:s20], [sflag:$0x1] =	stream.indirect_vreg.gather [hbm4b:s5+s2], $0x80, v22, vm0, $0xb8;
	[tilespmem:$0x10300] =	vst v63  }
0x57: {  	s21 =	simm.s32 $0x5300  }
0x58: {  	[tilespmem:s21], [sflag:$0x1] =	stream.indirect_vreg.gather [hbm4b:s3+s2], $0x80, v21, vm0, $0xb8;
	[tilespmem:$0x10300] =	vst v63  }
0x59: {  	s22 =	simm.s32 $0x5B00  }
0x5a: {  	[tilespmem:s22], [sflag:$0x1] =	stream.indirect_vreg.gather [hbm4b:s5+s2], $0x80, v21, vm0, $0xb8;
	[tilespmem:$0x10300] =	vst v63  }
0x5b: {  	v21 =	vld [tilespmem:$0x230];
	_ =	sdelay $0x4  }
0x5c: {  	v22 =	vshll.u32 v21, $0x2  }
0x5d: {  	v21 =	vand.u32 $0x7, v21;
	v22 =	vand.u32 $0xFFFFFFE0, v22  }
0x5e: {  	v21 =	vor.u32 v21, v22  }
0x5f: {  	v22 =	vperm.xlane v21, v13;
	_ =	sdelay $0x1  }
0x60: {  	v22 =	vadd.s32 v15, v22;
	_ =	sdelay $0x1  }
0x61: {  	v21 =	vperm.xlane v21, v14;
	_ =	sdelay $0x1  }
0x62: {  	s23 =	simm.s32 $0x6300;
	v21 =	vadd.s32 v15, v21  }
0x63: {  	[tilespmem:s23], [sflag:$0x1] =	stream.indirect_vreg.gather [hbm4b:s3+s2], $0x80, v22, vm0, $0xb8;
	[tilespmem:$0x10300] =	vst v63  }
0x64: {  	s24 =	simm.s32 $0x6B00  }
0x65: {  	[tilespmem:s24], [sflag:$0x1] =	stream.indirect_vreg.gather [hbm4b:s5+s2], $0x80, v22, vm0, $0xb8;
	[tilespmem:$0x10300] =	vst v63  }
0x66: {  	s25 =	simm.s32 $0x7300  }
0x67: {  	[tilespmem:s25], [sflag:$0x1] =	stream.indirect_vreg.gather [hbm4b:s3+s2], $0x80, v21, vm0, $0xb8;
	[tilespmem:$0x10300] =	vst v63  }
0x68: {  	s26 =	simm.s32 $0x7B00;
	s18 =	simm.s32 $0x1  }
0x69: {  	[tilespmem:s26], [sflag:$0x1] =	stream.indirect_vreg.gather [hbm4b:s5+s2], $0x80, v21, vm0, $0xb8;
	[tilespmem:$0x10300] =	vst v63  }
0x6a: {  	_ =	swait.ge [sflag:s18], $0x8000  }
0x6b: {  	[sflag:s18] =	ssyncset.done $0x0  }
0x6c: {  	[sflag:s18] =	ssyncadd.s32 $0xFFFF8000  }
0x6d: {  	v21 =	vld [tilespmem:$0x240];
	_ =	sdelay $0x4  }
0x6e: {  	v22 =	vshll.u32 v21, $0x2  }
0x6f: {  	v21 =	vand.u32 $0x7, v21;
	v22 =	vand.u32 $0xFFFFFFE0, v22  }
0x70: {  	v21 =	vor.u32 v21, v22  }
0x71: {  	v22 =	vperm.xlane v21, v13;
	_ =	sdelay $0x1  }
0x72: {  	v22 =	vadd.s32 v15, v22;
	_ =	sdelay $0x1  }
0x73: {  	v21 =	vperm.xlane v21, v14;
	_ =	sdelay $0x1  }
0x74: {  	s9 =	simm.s32 $0x8300;
	v21 =	vadd.s32 v15, v21  }
0x75: {  	[tilespmem:s9], [sflag:$0x2] =	stream.indirect_vreg.gather [hbm4b:s3+s2], $0x80, v22, vm0, $0xb8;
	[tilespmem:$0x10300] =	vst v63  }
0x76: {  	s10 =	simm.s32 $0x8B00  }
0x77: {  	[tilespmem:s10], [sflag:$0x2] =	stream.indirect_vreg.gather [hbm4b:s5+s2], $0x80, v22, vm0, $0xb8;
	[tilespmem:$0x10300] =	vst v63  }
0x78: {  	s11 =	simm.s32 $0x9300  }
0x79: {  	[tilespmem:s11], [sflag:$0x2] =	stream.indirect_vreg.gather [hbm4b:s3+s2], $0x80, v21, vm0, $0xb8;
	[tilespmem:$0x10300] =	vst v63  }
0x7a: {  	s12 =	simm.s32 $0x9B00  }
0x7b: {  	[tilespmem:s12], [sflag:$0x2] =	stream.indirect_vreg.gather [hbm4b:s5+s2], $0x80, v21, vm0, $0xb8;
	[tilespmem:$0x10300] =	vst v63  }
0x7c: {  	v21 =	vld [tilespmem:$0x250];
	_ =	sdelay $0x4  }
0x7d: {  	v22 =	vshll.u32 v21, $0x2  }
0x7e: {  	v21 =	vand.u32 $0x7, v21;
	v22 =	vand.u32 $0xFFFFFFE0, v22  }
0x7f: {  	v21 =	vor.u32 v21, v22  }
0x80: {  	v22 =	vperm.xlane v21, v13;
	_ =	sdelay $0x1  }
0x81: {  	v22 =	vadd.s32 v15, v22;
	_ =	sdelay $0x1  }
0x82: {  	v21 =	vperm.xlane v21, v14;
	_ =	sdelay $0x1  }
0x83: {  	s13 =	simm.s32 $0xA300;
	v21 =	vadd.s32 v15, v21  }
0x84: {  	[tilespmem:s13], [sflag:$0x2] =	stream.indirect_vreg.gather [hbm4b:s3+s2], $0x80, v22, vm0, $0xb8;
	[tilespmem:$0x10300] =	vst v63  }
0x85: {  	s14 =	simm.s32 $0xAB00  }
0x86: {  	[tilespmem:s14], [sflag:$0x2] =	stream.indirect_vreg.gather [hbm4b:s5+s2], $0x80, v22, vm0, $0xb8;
	[tilespmem:$0x10300] =	vst v63  }
0x87: {  	s15 =	simm.s32 $0xB300  }
0x88: {  	[tilespmem:s15], [sflag:$0x2] =	stream.indirect_vreg.gather [hbm4b:s3+s2], $0x80, v21, vm0, $0xb8;
	[tilespmem:$0x10300] =	vst v63  }
0x89: {  	s16 =	simm.s32 $0xBB00  }
0x8a: {  	[tilespmem:s16], [sflag:$0x2] =	stream.indirect_vreg.gather [hbm4b:s5+s2], $0x80, v21, vm0, $0xb8;
	[tilespmem:$0x10300] =	vst v63  }
0x8b: {  	v21 =	vld [tilespmem:$0x260];
	_ =	sdelay $0x4  }
0x8c: {  	v22 =	vshll.u32 v21, $0x2  }
0x8d: {  	v21 =	vand.u32 $0x7, v21;
	v22 =	vand.u32 $0xFFFFFFE0, v22  }
0x8e: {  	v21 =	vor.u32 v21, v22  }
0x8f: {  	v22 =	vperm.xlane v21, v13;
	_ =	sdelay $0x1  }
0x90: {  	v22 =	vadd.s32 v15, v22;
	_ =	sdelay $0x1  }
0x91: {  	v21 =	vperm.xlane v21, v14;
	_ =	sdelay $0x1  }
0x92: {  	s17 =	simm.s32 $0xC300;
	v21 =	vadd.s32 v15, v21  }
0x93: {  	[tilespmem:s17], [sflag:$0x2] =	stream.indirect_vreg.gather [hbm4b:s3+s2], $0x80, v22, vm0, $0xb8;
	[tilespmem:$0x10300] =	vst v63  }
0x94: {  	s19 =	simm.s32 $0xCB00  }
0x95: {  	[tilespmem:s19], [sflag:$0x2] =	stream.indirect_vreg.gather [hbm4b:s5+s2], $0x80, v22, vm0, $0xb8;
	[tilespmem:$0x10300] =	vst v63  }
0x96: {  	s20 =	simm.s32 $0xD300  }
0x97: {  	[tilespmem:s20], [sflag:$0x2] =	stream.indirect_vreg.gather [hbm4b:s3+s2], $0x80, v21, vm0, $0xb8;
	[tilespmem:$0x10300] =	vst v63  }
0x98: {  	s21 =	simm.s32 $0xDB00  }
0x99: {  	[tilespmem:s21], [sflag:$0x2] =	stream.indirect_vreg.gather [hbm4b:s5+s2], $0x80, v21, vm0, $0xb8;
	[tilespmem:$0x10300] =	vst v63  }
0x9a: {  	v21 =	vld [tilespmem:$0x270];
	_ =	sdelay $0x4  }
0x9b: {  	v22 =	vshll.u32 v21, $0x2  }
0x9c: {  	v21 =	vand.u32 $0x7, v21;
	v22 =	vand.u32 $0xFFFFFFE0, v22  }
0x9d: {  	v21 =	vor.u32 v21, v22  }
0x9e: {  	v22 =	vperm.xlane v21, v13;
	_ =	sdelay $0x1  }
0x9f: {  	v22 =	vadd.s32 v15, v22;
	_ =	sdelay $0x1  }
0xa0: {  	v21 =	vperm.xlane v21, v14;
	_ =	sdelay $0x1  }
0xa1: {  	s22 =	simm.s32 $0xE300;
	v21 =	vadd.s32 v15, v21  }
0xa2: {  	[tilespmem:s22], [sflag:$0x2] =	stream.indirect_vreg.gather [hbm4b:s3+s2], $0x80, v22, vm0, $0xb8;
	[tilespmem:$0x10300] =	vst v63  }
0xa3: {  	s23 =	simm.s32 $0xEB00  }
0xa4: {  	[tilespmem:s23], [sflag:$0x2] =	stream.indirect_vreg.gather [hbm4b:s5+s2], $0x80, v22, vm0, $0xb8;
	[tilespmem:$0x10300] =	vst v63  }
0xa5: {  	s24 =	simm.s32 $0xF300  }
0xa6: {  	[tilespmem:s24], [sflag:$0x2] =	stream.indirect_vreg.gather [hbm4b:s3+s2], $0x80, v21, vm0, $0xb8;
	[tilespmem:$0x10300] =	vst v63  }
0xa7: {  	s25 =	simm.s32 $0xFB00  }
0xa8: {  	[tilespmem:s25], [sflag:$0x2] =	stream.indirect_vreg.gather [hbm4b:s5+s2], $0x80, v21, vm0, $0xb8;
	[tilespmem:$0x10300] =	vst v63  }
0xa9: {  	v21 =	vld [tilespmem:$0x0];
	_ =	sdelay $0x4  }
0xaa: {  	v22 =	vshll.u32 v21, $0x2  }
0xab: {  	v21 =	vand.u32 $0x7, v21;
	v22 =	vand.u32 $0xFFFFFFE0, v22  }
0xac: {  	v21 =	vor.u32 v21, v22  }
0xad: {  	v22 =	vperm.xlane v21, v13;
	_ =	sdelay $0x1  }
0xae: {  	v22 =	vadd.s32 v15, v22;
	_ =	sdelay $0x1  }
0xaf: {  	v21 =	vperm.xlane v21, v14;
	_ =	sdelay $0x1  }
0xb0: {  	s9 =	simm.s32 $0x300;
	v21 =	vadd.s32 v15, v21  }
0xb1: {  	[hbm4b:s4+s2] =	stream.indirect_vreg.scatter [tilespmem:s9], [sflag:$0x3], $0x80, v22, vm0, $0xb8;
	[tilespmem:$0x10300] =	vst v63  }
0xb2: {  	s10 =	simm.s32 $0xB00  }
0xb3: {  	[hbm4b:s6+s2] =	stream.indirect_vreg.scatter [tilespmem:s10], [sflag:$0x3], $0x80, v22, vm0, $0xb8;
	[tilespmem:$0x10300] =	vst v63  }
0xb4: {  	s11 =	simm.s32 $0x1300  }
0xb5: {  	[hbm4b:s4+s2] =	stream.indirect_vreg.scatter [tilespmem:s11], [sflag:$0x3], $0x80, v21, vm0, $0xb8;
	[tilespmem:$0x10300] =	vst v63  }
0xb6: {  	s19 =	simm.s32 $0x1B00  }
0xb7: {  	[hbm4b:s6+s2] =	stream.indirect_vreg.scatter [tilespmem:s19], [sflag:$0x3], $0x80, v21, vm0, $0xb8;
	[tilespmem:$0x10300] =	vst v63  }
0xb8: {  	v21 =	vld [tilespmem:$0x10];
	_ =	sdelay $0x4  }
0xb9: {  	v22 =	vshll.u32 v21, $0x2  }
0xba: {  	v21 =	vand.u32 $0x7, v21;
	v22 =	vand.u32 $0xFFFFFFE0, v22  }
0xbb: {  	v21 =	vor.u32 v21, v22  }
0xbc: {  	v22 =	vperm.xlane v21, v13;
	_ =	sdelay $0x1  }
0xbd: {  	v22 =	vadd.s32 v15, v22;
	_ =	sdelay $0x1  }
0xbe: {  	v21 =	vperm.xlane v21, v14;
	_ =	sdelay $0x1  }
0xbf: {  	s26 =	simm.s32 $0x2300;
	v21 =	vadd.s32 v15, v21  }
0xc0: {  	[hbm4b:s4+s2] =	stream.indirect_vreg.scatter [tilespmem:s26], [sflag:$0x3], $0x80, v22, vm0, $0xb8;
	[tilespmem:$0x10300] =	vst v63  }
0xc1: {  	_ = 	snop  }
0xc2: {  	[hbm4b:s6+s2] =	stream.indirect_vreg.scatter [tilespmem:s28], [sflag:$0x3], $0x80, v22, vm0, $0xb8;
	[tilespmem:$0x10300] =	vst v63  }
0xc3: {  	_ = 	snop  }
0xc4: {  	[hbm4b:s4+s2] =	stream.indirect_vreg.scatter [tilespmem:s29], [sflag:$0x3], $0x80, v21, vm0, $0xb8;
	[tilespmem:$0x10300] =	vst v63  }
0xc5: {  	_ = 	snop  }
0xc6: {  	[hbm4b:s6+s2] =	stream.indirect_vreg.scatter [tilespmem:s30], [sflag:$0x3], $0x80, v21, vm0, $0xb8;
	[tilespmem:$0x10300] =	vst v63  }
0xc7: {  	v21 =	vld [tilespmem:$0x20];
	_ =	sdelay $0x4  }
0xc8: {  	v22 =	vshll.u32 v21, $0x2  }
0xc9: {  	v21 =	vand.u32 $0x7, v21;
	v22 =	vand.u32 $0xFFFFFFE0, v22  }
0xca: {  	v21 =	vor.u32 v21, v22  }
0xcb: {  	v22 =	vperm.xlane v21, v13;
	_ =	sdelay $0x1  }
0xcc: {  	v22 =	vadd.s32 v15, v22;
	_ =	sdelay $0x1  }
0xcd: {  	v21 =	vperm.xlane v21, v14;
	_ =	sdelay $0x1  }
0xce: {  	v21 =	vadd.s32 v15, v21  }
0xcf: {  	[hbm4b:s4+s2] =	stream.indirect_vreg.scatter [tilespmem:s31], [sflag:$0x3], $0x80, v22, vm0, $0xb8;
	[tilespmem:$0x10300] =	vst v63  }
0xd0: {  	s12 =	simm.s32 $0x4B00  }
0xd1: {  	[hbm4b:s6+s2] =	stream.indirect_vreg.scatter [tilespmem:s12], [sflag:$0x3], $0x80, v22, vm0, $0xb8;
	[tilespmem:$0x10300] =	vst v63  }
0xd2: {  	s13 =	simm.s32 $0x5300  }
0xd3: {  	[hbm4b:s4+s2] =	stream.indirect_vreg.scatter [tilespmem:s13], [sflag:$0x3], $0x80, v21, vm0, $0xb8;
	[tilespmem:$0x10300] =	vst v63  }
0xd4: {  	s20 =	simm.s32 $0x5B00  }
0xd5: {  	[hbm4b:s6+s2] =	stream.indirect_vreg.scatter [tilespmem:s20], [sflag:$0x3], $0x80, v21, vm0, $0xb8;
	[tilespmem:$0x10300] =	vst v63  }
0xd6: {  	v21 =	vld [tilespmem:$0x30];
	_ =	sdelay $0x4  }
0xd7: {  	v22 =	vshll.u32 v21, $0x2  }
0xd8: {  	v21 =	vand.u32 $0x7, v21;
	v22 =	vand.u32 $0xFFFFFFE0, v22  }
0xd9: {  	v21 =	vor.u32 v21, v22  }
0xda: {  	v22 =	vperm.xlane v21, v13;
	_ =	sdelay $0x1  }
0xdb: {  	v22 =	vadd.s32 v15, v22;
	_ =	sdelay $0x1  }
0xdc: {  	v21 =	vperm.xlane v21, v14;
	_ =	sdelay $0x1  }
0xdd: {  	s14 =	simm.s32 $0x6300;
	v21 =	vadd.s32 v15, v21  }
0xde: {  	[hbm4b:s4+s2] =	stream.indirect_vreg.scatter [tilespmem:s14], [sflag:$0x3], $0x80, v22, vm0, $0xb8;
	[tilespmem:$0x10300] =	vst v63  }
0xdf: {  	s15 =	simm.s32 $0x6B00  }
0xe0: {  	[hbm4b:s6+s2] =	stream.indirect_vreg.scatter [tilespmem:s15], [sflag:$0x3], $0x80, v22, vm0, $0xb8;
	[tilespmem:$0x10300] =	vst v63  }
0xe1: {  	s16 =	simm.s32 $0x7300  }
0xe2: {  	[hbm4b:s4+s2] =	stream.indirect_vreg.scatter [tilespmem:s16], [sflag:$0x3], $0x80, v21, vm0, $0xb8;
	[tilespmem:$0x10300] =	vst v63  }
0xe3: {  	s0 =	simm.s32 $0x2;
	s17 =	simm.s32 $0x7B00  }
0xe4: {  	[hbm4b:s6+s2] =	stream.indirect_vreg.scatter [tilespmem:s17], [sflag:$0x3], $0x80, v21, vm0, $0xb8;
	[tilespmem:$0x10300] =	vst v63  }
0xe5: {  	_ =	swait.ge [sflag:s0], $0x8000  }
0xe6: {  	[sflag:s0] =	ssyncset.done $0x0  }
0xe7: {  	[sflag:s0] =	ssyncadd.s32 $0xFFFF8000  }
0xe8: {  	_ =	swait.ge [sflag:s1], $0x8000  }
0xe9: {  	[sflag:s1] =	ssyncset.done $0x0  }
0xea: {  	[sflag:s1] =	ssyncadd.s32 $0xFFFF8000  }
0xeb: {  	v21 =	vld [tilespmem:$0x280];
	_ =	sdelay $0x4  }
0xec: {  	v22 =	vshll.u32 v21, $0x2  }
0xed: {  	v21 =	vand.u32 $0x7, v21;
	v22 =	vand.u32 $0xFFFFFFE0, v22  }
0xee: {  	v21 =	vor.u32 v21, v22  }
0xef: {  	v22 =	vperm.xlane v21, v13;
	_ =	sdelay $0x1  }
0xf0: {  	v22 =	vadd.s32 v15, v22;
	_ =	sdelay $0x1  }
0xf1: {  	v21 =	vperm.xlane v21, v14;
	_ =	sdelay $0x1  }
0xf2: {  	v21 =	vadd.s32 v15, v21  }
0xf3: {  	[tilespmem:s9], [sflag:$0x1] =	stream.indirect_vreg.gather [hbm4b:s3+s2], $0x80, v22, vm0, $0xb8;
	[tilespmem:$0x10300] =	vst v63  }
0xf4: {  	_ = 	snop  }
0xf5: {  	[tilespmem:s10], [sflag:$0x1] =	stream.indirect_vreg.gather [hbm4b:s5+s2], $0x80, v22, vm0, $0xb8;
	[tilespmem:$0x10300] =	vst v63  }
0xf6: {  	_ = 	snop  }
0xf7: {  	[tilespmem:s11], [sflag:$0x1] =	stream.indirect_vreg.gather [hbm4b:s3+s2], $0x80, v21, vm0, $0xb8;
	[tilespmem:$0x10300] =	vst v63  }
0xf8: {  	_ = 	snop  }
0xf9: {  	[tilespmem:s19], [sflag:$0x1] =	stream.indirect_vreg.gather [hbm4b:s5+s2], $0x80, v21, vm0, $0xb8;
	[tilespmem:$0x10300] =	vst v63  }
0xfa: {  	v21 =	vld [tilespmem:$0x290];
	_ =	sdelay $0x4  }
0xfb: {  	v22 =	vshll.u32 v21, $0x2  }
0xfc: {  	v21 =	vand.u32 $0x7, v21;
	v22 =	vand.u32 $0xFFFFFFE0, v22  }
0xfd: {  	v21 =	vor.u32 v21, v22  }
0xfe: {  	v22 =	vperm.xlane v21, v13;
	_ =	sdelay $0x1  }
0xff: {  	v22 =	vadd.s32 v15, v22;
	_ =	sdelay $0x1  }
0x100: {  	v21 =	vperm.xlane v21, v14;
	_ =	sdelay $0x1  }
0x101: {  	v21 =	vadd.s32 v15, v21  }
0x102: {  	[tilespmem:s26], [sflag:$0x1] =	stream.indirect_vreg.gather [hbm4b:s3+s2], $0x80, v22, vm0, $0xb8;
	[tilespmem:$0x10300] =	vst v63  }
0x103: {  	_ = 	snop  }
0x104: {  	[tilespmem:s28], [sflag:$0x1] =	stream.indirect_vreg.gather [hbm4b:s5+s2], $0x80, v22, vm0, $0xb8;
	[tilespmem:$0x10300] =	vst v63  }
0x105: {  	_ = 	snop  }
0x106: {  	[tilespmem:s29], [sflag:$0x1] =	stream.indirect_vreg.gather [hbm4b:s3+s2], $0x80, v21, vm0, $0xb8;
	[tilespmem:$0x10300] =	vst v63  }
0x107: {  	_ = 	snop  }
0x108: {  	[tilespmem:s30], [sflag:$0x1] =	stream.indirect_vreg.gather [hbm4b:s5+s2], $0x80, v21, vm0, $0xb8;
	[tilespmem:$0x10300] =	vst v63  }
0x109: {  	v21 =	vld [tilespmem:$0x2A0];
	_ =	sdelay $0x4  }
0x10a: {  	v22 =	vshll.u32 v21, $0x2  }
0x10b: {  	v21 =	vand.u32 $0x7, v21;
	v22 =	vand.u32 $0xFFFFFFE0, v22  }
0x10c: {  	v21 =	vor.u32 v21, v22  }
0x10d: {  	v22 =	vperm.xlane v21, v13;
	_ =	sdelay $0x1  }
0x10e: {  	v22 =	vadd.s32 v15, v22;
	_ =	sdelay $0x1  }
0x10f: {  	v21 =	vperm.xlane v21, v14;
	_ =	sdelay $0x1  }
0x110: {  	v21 =	vadd.s32 v15, v21  }
0x111: {  	[tilespmem:s31], [sflag:$0x1] =	stream.indirect_vreg.gather [hbm4b:s3+s2], $0x80, v22, vm0, $0xb8;
	[tilespmem:$0x10300] =	vst v63  }
0x112: {  	_ = 	snop  }
0x113: {  	[tilespmem:s12], [sflag:$0x1] =	stream.indirect_vreg.gather [hbm4b:s5+s2], $0x80, v22, vm0, $0xb8;
	[tilespmem:$0x10300] =	vst v63  }
0x114: {  	_ = 	snop  }
0x115: {  	[tilespmem:s13], [sflag:$0x1] =	stream.indirect_vreg.gather [hbm4b:s3+s2], $0x80, v21, vm0, $0xb8;
	[tilespmem:$0x10300] =	vst v63  }
0x116: {  	_ = 	snop  }
0x117: {  	[tilespmem:s20], [sflag:$0x1] =	stream.indirect_vreg.gather [hbm4b:s5+s2], $0x80, v21, vm0, $0xb8;
	[tilespmem:$0x10300] =	vst v63  }
0x118: {  	v21 =	vld [tilespmem:$0x2B0];
	_ =	sdelay $0x4  }
0x119: {  	v22 =	vshll.u32 v21, $0x2  }
0x11a: {  	v21 =	vand.u32 $0x7, v21;
	v22 =	vand.u32 $0xFFFFFFE0, v22  }
0x11b: {  	v21 =	vor.u32 v21, v22  }
0x11c: {  	v22 =	vperm.xlane v21, v13;
	_ =	sdelay $0x1  }
0x11d: {  	v22 =	vadd.s32 v15, v22;
	_ =	sdelay $0x1  }
0x11e: {  	v21 =	vperm.xlane v21, v14;
	_ =	sdelay $0x1  }
0x11f: {  	v21 =	vadd.s32 v15, v21  }
0x120: {  	[tilespmem:s14], [sflag:$0x1] =	stream.indirect_vreg.gather [hbm4b:s3+s2], $0x80, v22, vm0, $0xb8;
	[tilespmem:$0x10300] =	vst v63  }
0x121: {  	_ = 	snop  }
0x122: {  	[tilespmem:s15], [sflag:$0x1] =	stream.indirect_vreg.gather [hbm4b:s5+s2], $0x80, v22, vm0, $0xb8;
	[tilespmem:$0x10300] =	vst v63  }
0x123: {  	_ = 	snop  }
0x124: {  	[tilespmem:s16], [sflag:$0x1] =	stream.indirect_vreg.gather [hbm4b:s3+s2], $0x80, v21, vm0, $0xb8;
	[tilespmem:$0x10300] =	vst v63  }
0x125: {  	_ = 	snop  }
0x126: {  	[tilespmem:s17], [sflag:$0x1] =	stream.indirect_vreg.gather [hbm4b:s5+s2], $0x80, v21, vm0, $0xb8;
	[tilespmem:$0x10300] =	vst v63  }
0x127: {  	v21 =	vld [tilespmem:$0x80];
	_ =	sdelay $0x4  }
0x128: {  	v22 =	vshll.u32 v21, $0x2  }
0x129: {  	v21 =	vand.u32 $0x7, v21;
	v22 =	vand.u32 $0xFFFFFFE0, v22  }
0x12a: {  	v21 =	vor.u32 v21, v22  }
0x12b: {  	v22 =	vperm.xlane v21, v13;
	_ =	sdelay $0x1  }
0x12c: {  	v22 =	vadd.s32 v15, v22;
	_ =	sdelay $0x1  }
0x12d: {  	v21 =	vperm.xlane v21, v14;
	_ =	sdelay $0x1  }
0x12e: {  	s10 =	simm.s32 $0x8300;
	v21 =	vadd.s32 v15, v21  }
0x12f: {  	[hbm4b:s4+s2] =	stream.indirect_vreg.scatter [tilespmem:s10], [sflag:$0x4], $0x80, v22, vm0, $0xb8;
	[tilespmem:$0x10300] =	vst v63  }
0x130: {  	s17 =	simm.s32 $0x8B00  }
0x131: {  	[hbm4b:s6+s2] =	stream.indirect_vreg.scatter [tilespmem:s17], [sflag:$0x4], $0x80, v22, vm0, $0xb8;
	[tilespmem:$0x10300] =	vst v63  }
0x132: {  	s21 =	simm.s32 $0x9300  }
0x133: {  	[hbm4b:s4+s2] =	stream.indirect_vreg.scatter [tilespmem:s21], [sflag:$0x4], $0x80, v21, vm0, $0xb8;
	[tilespmem:$0x10300] =	vst v63  }
0x134: {  	s25 =	simm.s32 $0x9B00  }
0x135: {  	[hbm4b:s6+s2] =	stream.indirect_vreg.scatter [tilespmem:s25], [sflag:$0x4], $0x80, v21, vm0, $0xb8;
	[tilespmem:$0x10300] =	vst v63  }
0x136: {  	v21 =	vld [tilespmem:$0x90];
	_ =	sdelay $0x4  }
0x137: {  	v22 =	vshll.u32 v21, $0x2  }
0x138: {  	v21 =	vand.u32 $0x7, v21;
	v22 =	vand.u32 $0xFFFFFFE0, v22  }
0x139: {  	v21 =	vor.u32 v21, v22  }
0x13a: {  	v22 =	vperm.xlane v21, v13;
	_ =	sdelay $0x1  }
0x13b: {  	v22 =	vadd.s32 v15, v22;
	_ =	sdelay $0x1  }
0x13c: {  	v21 =	vperm.xlane v21, v14;
	_ =	sdelay $0x1  }
0x13d: {  	s19 =	simm.s32 $0xA300;
	v21 =	vadd.s32 v15, v21  }
0x13e: {  	[hbm4b:s4+s2] =	stream.indirect_vreg.scatter [tilespmem:s19], [sflag:$0x4], $0x80, v22, vm0, $0xb8;
	[tilespmem:$0x10300] =	vst v63  }
0x13f: {  	s20 =	simm.s32 $0xAB00  }
0x140: {  	[hbm4b:s6+s2] =	stream.indirect_vreg.scatter [tilespmem:s20], [sflag:$0x4], $0x80, v22, vm0, $0xb8;
	[tilespmem:$0x10300] =	vst v63  }
0x141: {  	s22 =	simm.s32 $0xB300  }
0x142: {  	[hbm4b:s4+s2] =	stream.indirect_vreg.scatter [tilespmem:s22], [sflag:$0x4], $0x80, v21, vm0, $0xb8;
	[tilespmem:$0x10300] =	vst v63  }
0x143: {  	s11 =	simm.s32 $0xBB00  }
0x144: {  	[hbm4b:s6+s2] =	stream.indirect_vreg.scatter [tilespmem:s11], [sflag:$0x4], $0x80, v21, vm0, $0xb8;
	[tilespmem:$0x10300] =	vst v63  }
0x145: {  	v21 =	vld [tilespmem:$0xA0];
	_ =	sdelay $0x4  }
0x146: {  	v22 =	vshll.u32 v21, $0x2  }
0x147: {  	v21 =	vand.u32 $0x7, v21;
	v22 =	vand.u32 $0xFFFFFFE0, v22  }
0x148: {  	v21 =	vor.u32 v21, v22  }
0x149: {  	v22 =	vperm.xlane v21, v13;
	_ =	sdelay $0x1  }
0x14a: {  	v22 =	vadd.s32 v15, v22;
	_ =	sdelay $0x1  }
0x14b: {  	v21 =	vperm.xlane v21, v14;
	_ =	sdelay $0x1  }
0x14c: {  	s12 =	simm.s32 $0xC300;
	v21 =	vadd.s32 v15, v21  }
0x14d: {  	[hbm4b:s4+s2] =	stream.indirect_vreg.scatter [tilespmem:s12], [sflag:$0x4], $0x80, v22, vm0, $0xb8;
	[tilespmem:$0x10300] =	vst v63  }
0x14e: {  	s13 =	simm.s32 $0xCB00  }
0x14f: {  	[hbm4b:s6+s2] =	stream.indirect_vreg.scatter [tilespmem:s13], [sflag:$0x4], $0x80, v22, vm0, $0xb8;
	[tilespmem:$0x10300] =	vst v63  }
0x150: {  	s14 =	simm.s32 $0xD300  }
0x151: {  	[hbm4b:s4+s2] =	stream.indirect_vreg.scatter [tilespmem:s14], [sflag:$0x4], $0x80, v21, vm0, $0xb8;
	[tilespmem:$0x10300] =	vst v63  }
0x152: {  	s23 =	simm.s32 $0xDB00  }
0x153: {  	[hbm4b:s6+s2] =	stream.indirect_vreg.scatter [tilespmem:s23], [sflag:$0x4], $0x80, v21, vm0, $0xb8;
	[tilespmem:$0x10300] =	vst v63  }
0x154: {  	v21 =	vld [tilespmem:$0xB0];
	_ =	sdelay $0x4  }
0x155: {  	v22 =	vshll.u32 v21, $0x2  }
0x156: {  	v21 =	vand.u32 $0x7, v21;
	v22 =	vand.u32 $0xFFFFFFE0, v22  }
0x157: {  	v21 =	vor.u32 v21, v22  }
0x158: {  	v22 =	vperm.xlane v21, v13;
	_ =	sdelay $0x1  }
0x159: {  	v22 =	vadd.s32 v15, v22;
	_ =	sdelay $0x1  }
0x15a: {  	v21 =	vperm.xlane v21, v14;
	_ =	sdelay $0x1  }
0x15b: {  	s15 =	simm.s32 $0xE300;
	v21 =	vadd.s32 v15, v21  }
0x15c: {  	[hbm4b:s4+s2] =	stream.indirect_vreg.scatter [tilespmem:s15], [sflag:$0x4], $0x80, v22, vm0, $0xb8;
	[tilespmem:$0x10300] =	vst v63  }
0x15d: {  	s16 =	simm.s32 $0xEB00  }
0x15e: {  	[hbm4b:s6+s2] =	stream.indirect_vreg.scatter [tilespmem:s16], [sflag:$0x4], $0x80, v22, vm0, $0xb8;
	[tilespmem:$0x10300] =	vst v63  }
0x15f: {  	s26 =	simm.s32 $0xF300  }
0x160: {  	[hbm4b:s4+s2] =	stream.indirect_vreg.scatter [tilespmem:s26], [sflag:$0x4], $0x80, v21, vm0, $0xb8;
	[tilespmem:$0x10300] =	vst v63  }
0x161: {  	s24 =	simm.s32 $0xFB00  }
0x162: {  	[hbm4b:s6+s2] =	stream.indirect_vreg.scatter [tilespmem:s24], [sflag:$0x4], $0x80, v21, vm0, $0xb8;
	[tilespmem:$0x10300] =	vst v63  }
0x163: {  	_ =	swait.ge [sflag:s18], $0x8000  }
0x164: {  	[sflag:s18] =	ssyncset.done $0x0  }
0x165: {  	[sflag:s18] =	ssyncadd.s32 $0xFFFF8000;
	s18 =	simm.s32 $0x4  }
0x166: {  	_ =	swait.ge [sflag:s18], $0x8000  }
0x167: {  	[sflag:s18] =	ssyncset.done $0x0  }
0x168: {  	[sflag:s18] =	ssyncadd.s32 $0xFFFF8000  }
0x169: {  	v21 =	vld [tilespmem:$0x2C0];
	_ =	sdelay $0x4  }
0x16a: {  	v22 =	vshll.u32 v21, $0x2  }
0x16b: {  	v21 =	vand.u32 $0x7, v21;
	v22 =	vand.u32 $0xFFFFFFE0, v22  }
0x16c: {  	v21 =	vor.u32 v21, v22  }
0x16d: {  	v22 =	vperm.xlane v21, v13;
	_ =	sdelay $0x1  }
0x16e: {  	v22 =	vadd.s32 v15, v22;
	_ =	sdelay $0x1  }
0x16f: {  	v21 =	vperm.xlane v21, v14;
	_ =	sdelay $0x1  }
0x170: {  	v21 =	vadd.s32 v15, v21  }
0x171: {  	[tilespmem:s10], [sflag:$0x2] =	stream.indirect_vreg.gather [hbm4b:s3+s2], $0x80, v22, vm0, $0xb8;
	[tilespmem:$0x10300] =	vst v63  }
0x172: {  	_ = 	snop  }
0x173: {  	[tilespmem:s17], [sflag:$0x2] =	stream.indirect_vreg.gather [hbm4b:s5+s2], $0x80, v22, vm0, $0xb8;
	[tilespmem:$0x10300] =	vst v63  }
0x174: {  	_ = 	snop  }
0x175: {  	[tilespmem:s21], [sflag:$0x2] =	stream.indirect_vreg.gather [hbm4b:s3+s2], $0x80, v21, vm0, $0xb8;
	[tilespmem:$0x10300] =	vst v63  }
0x176: {  	_ = 	snop  }
0x177: {  	[tilespmem:s25], [sflag:$0x2] =	stream.indirect_vreg.gather [hbm4b:s5+s2], $0x80, v21, vm0, $0xb8;
	[tilespmem:$0x10300] =	vst v63  }
0x178: {  	v21 =	vld [tilespmem:$0x2D0];
	_ =	sdelay $0x4  }
0x179: {  	v22 =	vshll.u32 v21, $0x2  }
0x17a: {  	v21 =	vand.u32 $0x7, v21;
	v22 =	vand.u32 $0xFFFFFFE0, v22  }
0x17b: {  	v21 =	vor.u32 v21, v22  }
0x17c: {  	v22 =	vperm.xlane v21, v13;
	_ =	sdelay $0x1  }
0x17d: {  	v22 =	vadd.s32 v15, v22;
	_ =	sdelay $0x1  }
0x17e: {  	v21 =	vperm.xlane v21, v14;
	_ =	sdelay $0x1  }
0x17f: {  	v21 =	vadd.s32 v15, v21  }
0x180: {  	[tilespmem:s19], [sflag:$0x2] =	stream.indirect_vreg.gather [hbm4b:s3+s2], $0x80, v22, vm0, $0xb8;
	[tilespmem:$0x10300] =	vst v63  }
0x181: {  	_ = 	snop  }
0x182: {  	[tilespmem:s20], [sflag:$0x2] =	stream.indirect_vreg.gather [hbm4b:s5+s2], $0x80, v22, vm0, $0xb8;
	[tilespmem:$0x10300] =	vst v63  }
0x183: {  	_ = 	snop  }
0x184: {  	[tilespmem:s22], [sflag:$0x2] =	stream.indirect_vreg.gather [hbm4b:s3+s2], $0x80, v21, vm0, $0xb8;
	[tilespmem:$0x10300] =	vst v63  }
0x185: {  	_ = 	snop  }
0x186: {  	[tilespmem:s11], [sflag:$0x2] =	stream.indirect_vreg.gather [hbm4b:s5+s2], $0x80, v21, vm0, $0xb8;
	[tilespmem:$0x10300] =	vst v63  }
0x187: {  	v21 =	vld [tilespmem:$0x2E0];
	_ =	sdelay $0x4  }
0x188: {  	v22 =	vshll.u32 v21, $0x2  }
0x189: {  	v21 =	vand.u32 $0x7, v21;
	v22 =	vand.u32 $0xFFFFFFE0, v22  }
0x18a: {  	v21 =	vor.u32 v21, v22  }
0x18b: {  	v22 =	vperm.xlane v21, v13;
	_ =	sdelay $0x1  }
0x18c: {  	v22 =	vadd.s32 v15, v22;
	_ =	sdelay $0x1  }
0x18d: {  	v21 =	vperm.xlane v21, v14;
	_ =	sdelay $0x1  }
0x18e: {  	v21 =	vadd.s32 v15, v21  }
0x18f: {  	[tilespmem:s12], [sflag:$0x2] =	stream.indirect_vreg.gather [hbm4b:s3+s2], $0x80, v22, vm0, $0xb8;
	[tilespmem:$0x10300] =	vst v63  }
0x190: {  	_ = 	snop  }
0x191: {  	[tilespmem:s13], [sflag:$0x2] =	stream.indirect_vreg.gather [hbm4b:s5+s2], $0x80, v22, vm0, $0xb8;
	[tilespmem:$0x10300] =	vst v63  }
0x192: {  	_ = 	snop  }
0x193: {  	[tilespmem:s14], [sflag:$0x2] =	stream.indirect_vreg.gather [hbm4b:s3+s2], $0x80, v21, vm0, $0xb8;
	[tilespmem:$0x10300] =	vst v63  }
0x194: {  	_ = 	snop  }
0x195: {  	[tilespmem:s23], [sflag:$0x2] =	stream.indirect_vreg.gather [hbm4b:s5+s2], $0x80, v21, vm0, $0xb8;
	[tilespmem:$0x10300] =	vst v63  }
0x196: {  	v21 =	vld [tilespmem:$0x2F0];
	_ =	sdelay $0x4  }
0x197: {  	v22 =	vshll.u32 v21, $0x2  }
0x198: {  	v21 =	vand.u32 $0x7, v21;
	v22 =	vand.u32 $0xFFFFFFE0, v22  }
0x199: {  	v21 =	vor.u32 v21, v22  }
0x19a: {  	v22 =	vperm.xlane v21, v13;
	_ =	sdelay $0x1  }
0x19b: {  	v22 =	vadd.s32 v15, v22;
	_ =	sdelay $0x1  }
0x19c: {  	v21 =	vperm.xlane v21, v14;
	_ =	sdelay $0x1  }
0x19d: {  	v21 =	vadd.s32 v15, v21  }
0x19e: {  	[tilespmem:s15], [sflag:$0x2] =	stream.indirect_vreg.gather [hbm4b:s3+s2], $0x80, v22, vm0, $0xb8;
	[tilespmem:$0x10300] =	vst v63  }
0x19f: {  	_ = 	snop  }
0x1a0: {  	[tilespmem:s16], [sflag:$0x2] =	stream.indirect_vreg.gather [hbm4b:s5+s2], $0x80, v22, vm0, $0xb8;
	[tilespmem:$0x10300] =	vst v63  }
0x1a1: {  	_ = 	snop  }
0x1a2: {  	[tilespmem:s26], [sflag:$0x2] =	stream.indirect_vreg.gather [hbm4b:s3+s2], $0x80, v21, vm0, $0xb8;
	[tilespmem:$0x10300] =	vst v63  }
0x1a3: {  	_ = 	snop  }
0x1a4: {  	[tilespmem:s24], [sflag:$0x2] =	stream.indirect_vreg.gather [hbm4b:s5+s2], $0x80, v21, vm0, $0xb8;
	[tilespmem:$0x10300] =	vst v63  }
0x1a5: {  	v21 =	vld [tilespmem:$0x100];
	_ =	sdelay $0x4  }
0x1a6: {  	v22 =	vshll.u32 v21, $0x2  }
0x1a7: {  	v21 =	vand.u32 $0x7, v21;
	v22 =	vand.u32 $0xFFFFFFE0, v22  }
0x1a8: {  	v21 =	vor.u32 v21, v22  }
0x1a9: {  	v22 =	vperm.xlane v21, v13;
	_ =	sdelay $0x1  }
0x1aa: {  	v22 =	vadd.s32 v15, v22;
	_ =	sdelay $0x1  }
0x1ab: {  	v21 =	vperm.xlane v21, v14;
	_ =	sdelay $0x1  }
0x1ac: {  	s26 =	simm.s32 $0x300;
	v21 =	vadd.s32 v15, v21  }
0x1ad: {  	[hbm4b:s4+s2] =	stream.indirect_vreg.scatter [tilespmem:s26], [sflag:$0x3], $0x80, v22, vm0, $0xb8;
	[tilespmem:$0x10300] =	vst v63  }
0x1ae: {  	s26 =	simm.s32 $0xB00  }
0x1af: {  	[hbm4b:s6+s2] =	stream.indirect_vreg.scatter [tilespmem:s26], [sflag:$0x3], $0x80, v22, vm0, $0xb8;
	[tilespmem:$0x10300] =	vst v63  }
0x1b0: {  	s26 =	simm.s32 $0x1300  }
0x1b1: {  	[hbm4b:s4+s2] =	stream.indirect_vreg.scatter [tilespmem:s26], [sflag:$0x3], $0x80, v21, vm0, $0xb8;
	[tilespmem:$0x10300] =	vst v63  }
0x1b2: {  	s26 =	simm.s32 $0x1B00  }
0x1b3: {  	[hbm4b:s6+s2] =	stream.indirect_vreg.scatter [tilespmem:s26], [sflag:$0x3], $0x80, v21, vm0, $0xb8;
	[tilespmem:$0x10300] =	vst v63  }
0x1b4: {  	v21 =	vld [tilespmem:$0x110];
	_ =	sdelay $0x4  }
0x1b5: {  	v22 =	vshll.u32 v21, $0x2  }
0x1b6: {  	v21 =	vand.u32 $0x7, v21;
	v22 =	vand.u32 $0xFFFFFFE0, v22  }
0x1b7: {  	v21 =	vor.u32 v21, v22  }
0x1b8: {  	v22 =	vperm.xlane v21, v13;
	_ =	sdelay $0x1  }
0x1b9: {  	v22 =	vadd.s32 v15, v22;
	_ =	sdelay $0x1  }
0x1ba: {  	v21 =	vperm.xlane v21, v14;
	_ =	sdelay $0x1  }
0x1bb: {  	s26 =	simm.s32 $0x2300;
	v21 =	vadd.s32 v15, v21  }
0x1bc: {  	[hbm4b:s4+s2] =	stream.indirect_vreg.scatter [tilespmem:s26], [sflag:$0x3], $0x80, v22, vm0, $0xb8;
	[tilespmem:$0x10300] =	vst v63  }
0x1bd: {  	_ = 	snop  }
0x1be: {  	[hbm4b:s6+s2] =	stream.indirect_vreg.scatter [tilespmem:s28], [sflag:$0x3], $0x80, v22, vm0, $0xb8;
	[tilespmem:$0x10300] =	vst v63  }
0x1bf: {  	_ = 	snop  }
0x1c0: {  	[hbm4b:s4+s2] =	stream.indirect_vreg.scatter [tilespmem:s29], [sflag:$0x3], $0x80, v21, vm0, $0xb8;
	[tilespmem:$0x10300] =	vst v63  }
0x1c1: {  	_ = 	snop  }
0x1c2: {  	[hbm4b:s6+s2] =	stream.indirect_vreg.scatter [tilespmem:s30], [sflag:$0x3], $0x80, v21, vm0, $0xb8;
	[tilespmem:$0x10300] =	vst v63  }
0x1c3: {  	v21 =	vld [tilespmem:$0x120];
	_ =	sdelay $0x4  }
0x1c4: {  	v22 =	vshll.u32 v21, $0x2  }
0x1c5: {  	v21 =	vand.u32 $0x7, v21;
	v22 =	vand.u32 $0xFFFFFFE0, v22  }
0x1c6: {  	v21 =	vor.u32 v21, v22  }
0x1c7: {  	v22 =	vperm.xlane v21, v13;
	_ =	sdelay $0x1  }
0x1c8: {  	v22 =	vadd.s32 v15, v22;
	_ =	sdelay $0x1  }
0x1c9: {  	v21 =	vperm.xlane v21, v14;
	_ =	sdelay $0x1  }
0x1ca: {  	v21 =	vadd.s32 v15, v21  }
0x1cb: {  	[hbm4b:s4+s2] =	stream.indirect_vreg.scatter [tilespmem:s31], [sflag:$0x3], $0x80, v22, vm0, $0xb8;
	[tilespmem:$0x10300] =	vst v63  }
0x1cc: {  	s26 =	simm.s32 $0x4B00  }
0x1cd: {  	[hbm4b:s6+s2] =	stream.indirect_vreg.scatter [tilespmem:s26], [sflag:$0x3], $0x80, v22, vm0, $0xb8;
	[tilespmem:$0x10300] =	vst v63  }
0x1ce: {  	s26 =	simm.s32 $0x5300  }
0x1cf: {  	[hbm4b:s4+s2] =	stream.indirect_vreg.scatter [tilespmem:s26], [sflag:$0x3], $0x80, v21, vm0, $0xb8;
	[tilespmem:$0x10300] =	vst v63  }
0x1d0: {  	s26 =	simm.s32 $0x5B00  }
0x1d1: {  	[hbm4b:s6+s2] =	stream.indirect_vreg.scatter [tilespmem:s26], [sflag:$0x3], $0x80, v21, vm0, $0xb8;
	[tilespmem:$0x10300] =	vst v63  }
0x1d2: {  	v21 =	vld [tilespmem:$0x130];
	_ =	sdelay $0x4  }
0x1d3: {  	v22 =	vshll.u32 v21, $0x2  }
0x1d4: {  	v21 =	vand.u32 $0x7, v21;
	v22 =	vand.u32 $0xFFFFFFE0, v22  }
0x1d5: {  	v21 =	vor.u32 v21, v22  }
0x1d6: {  	v22 =	vperm.xlane v21, v13;
	_ =	sdelay $0x1  }
0x1d7: {  	v22 =	vadd.s32 v15, v22;
	_ =	sdelay $0x1  }
0x1d8: {  	v21 =	vperm.xlane v21, v14;
	_ =	sdelay $0x1  }
0x1d9: {  	s26 =	simm.s32 $0x6300;
	v21 =	vadd.s32 v15, v21  }
0x1da: {  	[hbm4b:s4+s2] =	stream.indirect_vreg.scatter [tilespmem:s26], [sflag:$0x3], $0x80, v22, vm0, $0xb8;
	[tilespmem:$0x10300] =	vst v63  }
0x1db: {  	s26 =	simm.s32 $0x6B00  }
0x1dc: {  	[hbm4b:s6+s2] =	stream.indirect_vreg.scatter [tilespmem:s26], [sflag:$0x3], $0x80, v22, vm0, $0xb8;
	[tilespmem:$0x10300] =	vst v63  }
0x1dd: {  	s26 =	simm.s32 $0x7300  }
0x1de: {  	[hbm4b:s4+s2] =	stream.indirect_vreg.scatter [tilespmem:s26], [sflag:$0x3], $0x80, v21, vm0, $0xb8;
	[tilespmem:$0x10300] =	vst v63  }
0x1df: {  	s26 =	simm.s32 $0x7B00  }
0x1e0: {  	[hbm4b:s6+s2] =	stream.indirect_vreg.scatter [tilespmem:s26], [sflag:$0x3], $0x80, v21, vm0, $0xb8;
	[tilespmem:$0x10300] =	vst v63  }
0x1e1: {  	_ =	swait.ge [sflag:s0], $0x8000  }
0x1e2: {  	[sflag:s0] =	ssyncset.done $0x0  }
0x1e3: {  	[sflag:s0] =	ssyncadd.s32 $0xFFFF8000  }
0x1e4: {  	_ =	swait.ge [sflag:s1], $0x8000  }
0x1e5: {  	[sflag:s1] =	ssyncset.done $0x0  }
0x1e6: {  	[sflag:s1] =	ssyncadd.s32 $0xFFFF8000  }
0x1e7: {  	v21 =	vld [tilespmem:$0x180];
	_ =	sdelay $0x4  }
0x1e8: {  	v22 =	vshll.u32 v21, $0x2  }
0x1e9: {  	v21 =	vand.u32 $0x7, v21;
	v22 =	vand.u32 $0xFFFFFFE0, v22  }
0x1ea: {  	v21 =	vor.u32 v21, v22  }
0x1eb: {  	v22 =	vperm.xlane v21, v13;
	_ =	sdelay $0x1  }
0x1ec: {  	v22 =	vadd.s32 v15, v22;
	_ =	sdelay $0x1  }
0x1ed: {  	v21 =	vperm.xlane v21, v14;
	_ =	sdelay $0x1  }
0x1ee: {  	s9 =	simm.s32 $0x8300;
	v21 =	vadd.s32 v15, v21  }
0x1ef: {  	[hbm4b:s4+s2] =	stream.indirect_vreg.scatter [tilespmem:s9], [sflag:$0x4], $0x80, v22, vm0, $0xb8;
	[tilespmem:$0x10300] =	vst v63  }
0x1f0: {  	s10 =	simm.s32 $0x8B00  }
0x1f1: {  	[hbm4b:s6+s2] =	stream.indirect_vreg.scatter [tilespmem:s10], [sflag:$0x4], $0x80, v22, vm0, $0xb8;
	[tilespmem:$0x10300] =	vst v63  }
0x1f2: {  	s17 =	simm.s32 $0x9300  }
0x1f3: {  	[hbm4b:s4+s2] =	stream.indirect_vreg.scatter [tilespmem:s17], [sflag:$0x4], $0x80, v21, vm0, $0xb8;
	[tilespmem:$0x10300] =	vst v63  }
0x1f4: {  	s25 =	simm.s32 $0x9B00  }
0x1f5: {  	[hbm4b:s6+s2] =	stream.indirect_vreg.scatter [tilespmem:s25], [sflag:$0x4], $0x80, v21, vm0, $0xb8;
	[tilespmem:$0x10300] =	vst v63  }
0x1f6: {  	v21 =	vld [tilespmem:$0x190];
	_ =	sdelay $0x4  }
0x1f7: {  	v22 =	vshll.u32 v21, $0x2  }
0x1f8: {  	v21 =	vand.u32 $0x7, v21;
	v22 =	vand.u32 $0xFFFFFFE0, v22  }
0x1f9: {  	v21 =	vor.u32 v21, v22  }
0x1fa: {  	v22 =	vperm.xlane v21, v13;
	_ =	sdelay $0x1  }
0x1fb: {  	v22 =	vadd.s32 v15, v22;
	_ =	sdelay $0x1  }
0x1fc: {  	v21 =	vperm.xlane v21, v14;
	_ =	sdelay $0x1  }
0x1fd: {  	s21 =	simm.s32 $0xA300;
	v21 =	vadd.s32 v15, v21  }
0x1fe: {  	[hbm4b:s4+s2] =	stream.indirect_vreg.scatter [tilespmem:s21], [sflag:$0x4], $0x80, v22, vm0, $0xb8;
	[tilespmem:$0x10300] =	vst v63  }
0x1ff: {  	s19 =	simm.s32 $0xAB00  }
0x200: {  	[hbm4b:s6+s2] =	stream.indirect_vreg.scatter [tilespmem:s19], [sflag:$0x4], $0x80, v22, vm0, $0xb8;
	[tilespmem:$0x10300] =	vst v63  }
0x201: {  	s20 =	simm.s32 $0xB300  }
0x202: {  	[hbm4b:s4+s2] =	stream.indirect_vreg.scatter [tilespmem:s20], [sflag:$0x4], $0x80, v21, vm0, $0xb8;
	[tilespmem:$0x10300] =	vst v63  }
0x203: {  	s22 =	simm.s32 $0xBB00  }
0x204: {  	[hbm4b:s6+s2] =	stream.indirect_vreg.scatter [tilespmem:s22], [sflag:$0x4], $0x80, v21, vm0, $0xb8;
	[tilespmem:$0x10300] =	vst v63  }
0x205: {  	v21 =	vld [tilespmem:$0x1A0];
	_ =	sdelay $0x4  }
0x206: {  	v22 =	vshll.u32 v21, $0x2  }
0x207: {  	v21 =	vand.u32 $0x7, v21;
	v22 =	vand.u32 $0xFFFFFFE0, v22  }
0x208: {  	v21 =	vor.u32 v21, v22  }
0x209: {  	v22 =	vperm.xlane v21, v13;
	_ =	sdelay $0x1  }
0x20a: {  	v22 =	vadd.s32 v15, v22;
	_ =	sdelay $0x1  }
0x20b: {  	v21 =	vperm.xlane v21, v14;
	_ =	sdelay $0x1  }
0x20c: {  	s11 =	simm.s32 $0xC300;
	v21 =	vadd.s32 v15, v21  }
0x20d: {  	[hbm4b:s4+s2] =	stream.indirect_vreg.scatter [tilespmem:s11], [sflag:$0x4], $0x80, v22, vm0, $0xb8;
	[tilespmem:$0x10300] =	vst v63  }
0x20e: {  	s12 =	simm.s32 $0xCB00  }
0x20f: {  	[hbm4b:s6+s2] =	stream.indirect_vreg.scatter [tilespmem:s12], [sflag:$0x4], $0x80, v22, vm0, $0xb8;
	[tilespmem:$0x10300] =	vst v63  }
0x210: {  	s13 =	simm.s32 $0xD300  }
0x211: {  	[hbm4b:s4+s2] =	stream.indirect_vreg.scatter [tilespmem:s13], [sflag:$0x4], $0x80, v21, vm0, $0xb8;
	[tilespmem:$0x10300] =	vst v63  }
0x212: {  	s23 =	simm.s32 $0xDB00  }
0x213: {  	[hbm4b:s6+s2] =	stream.indirect_vreg.scatter [tilespmem:s23], [sflag:$0x4], $0x80, v21, vm0, $0xb8;
	[tilespmem:$0x10300] =	vst v63  }
0x214: {  	v21 =	vld [tilespmem:$0x1B0];
	_ =	sdelay $0x4  }
0x215: {  	v22 =	vshll.u32 v21, $0x2  }
0x216: {  	v21 =	vand.u32 $0x7, v21;
	v22 =	vand.u32 $0xFFFFFFE0, v22  }
0x217: {  	v21 =	vor.u32 v21, v22  }
0x218: {  	v22 =	vperm.xlane v21, v13;
	_ =	sdelay $0x1  }
0x219: {  	v22 =	vadd.s32 v15, v22;
	_ =	sdelay $0x1  }
0x21a: {  	v21 =	vperm.xlane v21, v14;
	_ =	sdelay $0x1  }
0x21b: {  	s14 =	simm.s32 $0xE300;
	v21 =	vadd.s32 v15, v21  }
0x21c: {  	[hbm4b:s4+s2] =	stream.indirect_vreg.scatter [tilespmem:s14], [sflag:$0x4], $0x80, v22, vm0, $0xb8;
	[tilespmem:$0x10300] =	vst v63  }
0x21d: {  	s15 =	simm.s32 $0xEB00  }
0x21e: {  	[hbm4b:s6+s2] =	stream.indirect_vreg.scatter [tilespmem:s15], [sflag:$0x4], $0x80, v22, vm0, $0xb8;
	[tilespmem:$0x10300] =	vst v63  }
0x21f: {  	p0 =	sne.s32 s7, $0x1;
	s16 =	simm.s32 $0xF300  }
0x220: {  	[hbm4b:s4+s2] =	stream.indirect_vreg.scatter [tilespmem:s16], [sflag:$0x4], $0x80, v21, vm0, $0xb8;
	[tilespmem:$0x10300] =	vst v63  }
.Ltmp0:
0x221: {  	s24 =	simm.s32 $0xFB00;
	(pc) =	sbr.rel @p0 .LBB2_1-.Ltmp0, $4  }
0x222: {  	[hbm4b:s6+s2] =	stream.indirect_vreg.scatter [tilespmem:s24], [sflag:$0x4], $0x80, v21, vm0, $0xb8;
	[tilespmem:$0x10300] =	vst v63  }
0x223: {  	_ =	swait.ge [sflag:s18], $0x8000  }
0x224: {  	[sflag:s18] =	ssyncset.done $0x0  }
0x225: {  	s7 =	sadd.s32 $0xFFFFFFFF, s7;
	[sflag:s18] =	ssyncadd.s32 $0xFFFF8000  }
0x226: {  	_ =	sfence.sel $0x180000  }
0x227: {  	[bflag:$0x0] =	sbarrier.arrive $0xFFFF  }
0x228: {  	_ =	strace $0x90000047  }
0x229: {  	s0 =	stileid.u32;
	[bflag:$0x2] =	sbarrier.arrive $0xFFFF  }
0x22a: {  	p0 =	sne.s32 s0, $0x0;
	s0 =	rddreg [dreg:$0x1]  }
0x22b: {  	s0 =	sadd.s32 @!p0 $0x100000, s0  }
0x22c: {  	[sflag:s0] =	ssyncadd.tile.s32 @!p0 $0x1;
	_ =	shalt  }
.Lfunc_end2:
_tile_overlayer_lowered:
.L_overlay_start_2:
0x22d: {  	(tag) =	ssettag $0x2  }
0x22e: {  	s0 =	rddreg [dreg:$0x0];
	s2 =	stileid.u32  }
0x22f: {  	s1 =	rddreg [dreg:$0x1];
	p0 =	sne.s32 s2, $0x0  }
0x230: {  	s3 =	rddreg [dreg:$0x2];
	[bflag:$0x3] =	sbarrier.arrive $0xFFFF;
	s2 =	simm.s32 @!p0 $0x1C05  }
0x231: {  	[timem:s3], [sflag:s2] =	dma.local @!p0 [hbm:s0], s1  }
0x232: {  	s0 =	simm.s32 @!p0 $0x5  }
0x233: {  	_ =	swait.ge @!p0 [sflag:s0], s1  }
0x234: {  	s1 =	ssub.s32 @!p0 $0x0, s1;
	[sflag:s0] =	ssyncset.done @!p0 $0x0  }
0x235: {  	[sflag:s0] =	ssyncadd.s32 @!p0 s1  }
0x236: {  	[bflag:$0x3] =	sbarrier.arrive $0xFFFF  }
0x237: {  	_ =	shalt  }

// kernel: sparse-core-data-format-call.cloned.1.call-start
scs
called_computation_lowered:
.L_overlay_start_0:
0x0: {  	s1 =	sld [smem:$0x3FD9]  }
0x1: {  	s2 =	sld [smem:$0x3FFE];
	_ =	sdelay $0x1  }
0x2: {  	s3 =	srdreg.scid  }
0x3: {  	s0 =	sand.u32 $0x1, s3  }
0x4: {  	s17 =	sshll.u32 s0, $0xA;
	s1 =	sadd.s32 s2, s1  }
0x5: {  	s1 =	sadd.s32 s1, s17  }
0x6: {  	[smem:$0x3FC1] =	sst s1  }
0x7: {  	_ = 	snop  }
0x8: {  	(tm) =	ssettm $0x1  }
0x9: {  	s18 =	sld [smem:$0x3FFB];
	_ =	sdelay $0x3  }
0xa: {  	_ =	strace s18  }
0xb: {  	s1 =	sld [smem:$0x3FFC];
	_ =	sdelay $0x3  }
0xc: {  	_ =	strace s1  }
0xd: {  	s1 =	sld [smem:$0x3FFD];
	_ =	sdelay $0x3  }
0xe: {  	_ =	strace s1  }
0xf: {  	_ =	strace $0x8FFFFFFF  }
0x10: {  	s19 =	sld [smem:$0x3FDB];
	_ =	sdelay $0x1  }
0x11: {  	s20 =	simm.s32 $_scs_section_size  }
0x12: {  	s4 =	simm.s32 $_size__tile_overlayer_lowered;
	s5 =	simm.s32 $_tile_overlayer_lowered  }
0x13: {  	s23 =	simm.s32 $0x1BFF;
	s22 =	sshll.u32 s5, $0x1;
	s1 =	sadd.s32 s20, s19  }
0x14: {  	s6 =	simm.s32 $0x0;
	s21 =	sshll.u32 s4, $0x1;
	s4 =	sadd.s32 s22, s1  }
0x15: {  	[timem:s6], [sflag:s23] =	dma.local [hbm:s4], s21  }
0x16: {  	_ =	swait.ge [sflag:s23], s21  }
0x17: {  	s2 =	ssub.s32 $0x0, s21;
	[sflag:s23] =	ssyncset.done $0x0  }
0x18: {  	[sflag:s23] =	ssyncadd.s32 s2;
	_ =	sdelay $0x1  }
0x19: {  	s24 =	simm.s32 $0x1B8B  }
0x1a: {  	_ =	swait.ge [sflag:s24], $0x1  }
0x1b: {  	[sflag:s24] =	ssyncset.done $0x0  }
0x1c: {  	s26 =	simm.s32 $0x1B8E;
	s25 =	sld [smem:$0x3FFE];
	[sflag:s24] =	ssyncadd.s32 $0xFFFFFFFF  }
0x1d: {  	s27 =	simm.s32 $execute0_lowered;
	[smem:$0x3FD2] =	sst s26  }
0x1e: {  	s4 =	sshll.u32 s27, $0x1;
	_ =	strace $0x80000049;
	[dreg:$0x1] =	wrdreg $0xFFFFFFFF  }
0x1f: {  	s28 =	simm.s32 $_size_execute0_lowered;
	s1 =	sadd.s32 s1, s4;
	[dreg:$0x0] =	wrdreg $0x0  }
0x20: {  	s4 =	sshll.u32 s28, $0x1;
	[dreg:$0x2] =	wrdreg s1  }
0x21: {  	[dreg:$0x3] =	wrdreg s4  }
0x22: {  	[dreg:$0x4] =	wrdreg $0xC0  }
0x23: {  	_ =	task [dreg:s6], $0x5FFFF  }
0x24: {  	[dreg:$0x1] =	wrdreg $0xFFFFFFFF  }
0x25: {  	[dreg:$0x0] =	wrdreg $0x60  }
0x26: {  	[dreg:$0x2] =	wrdreg s25  }
0x27: {  	[dreg:$0x3] =	wrdreg $0x9  }
0x28: {  	_ =	task.clear_ibuf [dreg:s6], $0x4FFFF;
	_ =	strace $0x90000049  }
0x29: {  	s29 =	simm.s32 $0x9;
	_ =	strace $0x8000004B  }
0x2a: {  	_ =	swait.ge [sflag:s29], $0x1  }
0x2b: {  	[sflag:s29] =	ssyncadd.s32 $0xFFFFFFFF  }
0x2c: {  	_ =	strace $0x9000004B  }
0x2d: {  	_ =	sfence  }
0x2e: {  	s30 =	sld [smem:$0x0];
	_ =	sdelay $0x2  }
0x2f: {  	s31 =	sshll.u32 s3, $0xD;
	s3 =	sshrl.u32 s3, $0x2  }
0x30: {  	s2 =	sand.u32 $0x4000, s31;
	s1 =	sadd.s32 s3, s30  }
0x31: {  	s0 =	sor.u32 s2, s0;
	s1 =	sshll.u32 s1, $0x11  }
0x32: {  	s0 =	sor.u32 s1, s0  }
0x33: {  	s0 =	sadd.s32 $0x8F2B, s0  }
0x34: {  	[sflag:s0] =	ssyncadd.remote.s32 $0x1  }
0x35: {  	_ =	sfence.sel $0xFFFF  }
0x36: {  	[dreg:$0x0] =	wrdreg $0xFFFFFFFF;
	(pc) =	sbr.abs _section_cstart, $3  }
0x37: {  	[dreg:$0x1] =	wrdreg $0xFFFFFFFF  }
0x38: {  	_ =	task.clear_ibuf [dreg:s6], $0x2FFFF;
	_ =	strace $0x9FFFFFFF  }
0x39: {  	(tm) =	ssettm $0x7FFFFFFF  }
tec
execute0_lowered:
.L_overlay_start_1:
0x0: {  	(tag) =	ssettag $0x1  }
0x1: {  	s0 =	stileid.u32;
	s1 =	srdreg.scid  }
0x2: {  	s7 =	rddreg [dreg:$0x0];
	s31 =	simm.s32 $0x2;
	s14 =	simm.s32 $0x0  }
0x3: {  	s13 =	simm.s32 $0x0;
	s12 =	simm.s32 $0x0;
	s2 =	sshll.u32 s0, $0x7  }
0x4: {  	s3 =	sshll.u32 s0, $0x4;
	s1 =	sshll.u32 s1, $0x8;
	s2 =	sand.u32 $0x380, s2  }
0x5: {  	s3 =	sor.u32 s3, s1;
	s1 =	rddreg [dreg:$0x1];
	_ =	strace $0x8000004A  }
0x6: {  	s3 =	sand.u32 $0x180, s3;
	s4 =	ssub.s32 $0x400, s2;
	s11 =	smov.u32 s2  }
0x7: {  	s5 =	sand.u32 $0x380, s4;
	s6 =	ssub.s32 $0x2800, s3;
	s9 =	sshrl.u32 s4, $0xA  }
0x8: {  	p0 =	sne.s32 s5, $0x0;
	s5 =	simm.s32 $0x1;
	s8 =	sand.u32 $0x180, s6  }
0x9: {  	s5 =	simm.s32 @!p0 $0x0;
	p0 =	sne.s32 s8, $0x0;
	s8 =	simm.s32 $0x1  }
.Ltmp0:
0xa: {  	s6 =	sshrl.u32 s6, $0x9;
	s8 =	simm.s32 @!p0 $0x0;
	(pc) =	sbr.rel .LBB1_1-.Ltmp0, $4  }
0xb: {  	s4 =	simm.s32 $0x1;
	s5 =	sadd.s32 s5, s9;
	s6 =	sadd.s32 s8, s6  }
0xc: {  	s10 =	smov.u32 s3;
	[sflag:s4] =	ssyncpa.u1 $0x0;
	s5 =	smul.u32 s5, s6  }
0xd: {  	[sflag:s31] =	ssyncpa.u1 $0x0;
	p0 =	por $0x0, $0x0;
	s9 =	simm.s32 $0x2000  }
0xe: {  	s6 =	sadd.s32 $0x223800, s7;
	s7 =	sadd.s32 $0xE3800, s7;
	s8 =	sadd.s32 $0x1, s5  }
.LBB1_4:
0xf: {  	v5 =	vld [tilespmem:s18+$0xFFFFFFD0];
	[tilespmem:s17+$0x2040 ss:$0x81] =	vst.msk $0xffff, v4;
	s20 =	sshll.u32 s14, $0xA;
	s21 =	sshll.u32 s13, $0x3  }
0x10: {  	v58 =	vld [tilespmem:s18+$0xFFFFFFE0];
	[tilespmem:s17+$0x2850 ss:$0x81] =	vst.msk $0xffff, v3;
	s20 =	sand.u32 $0xFFFFE000, s20;
	s21 =	sand.u32 $0xFFFFFC00, s21  }
0x11: {  	s19 =	sshra.s32 s19, $0x2;
	v59 =	vld [tilespmem:s18+$0xFFFFFFF0];
	[tilespmem:s17+$0x3060 ss:$0x81] =	vst.msk $0xffff, v2;
	s20 =	sadd.s32 s21, s20  }
0x12: {  	v60 =	vld [tilespmem:s18+$0x0];
	[tilespmem:s17+$0x0 ss:$0x81] =	vst.msk $0xffff, v0;
	s16 =	sadd.s32 s19, s16;
	s26 =	sshrl.u32 s20, $0xA  }
0x13: {  	v61 =	vld [tilespmem:s18+$0x10];
	[tilespmem:s16+$0x3870 ss:$0x81] =	vst.msk $0xffff, v1;
	s27 =	smulhi.u32 $0xCCCCD, s26  }
0x14: {  	v62 =	vld [tilespmem:s18+$0x20];
	[tilespmem:s16+$0x810 ss:$0x81] =	vst.msk $0xffff, v5  }
0x15: {  	v63 =	vld [tilespmem:s18+$0xFFFFFFC0];
	s28 =	sshll.u32 s14, $0x7;
	[tilespmem:s16+$0x1020 ss:$0x81] =	vst.msk $0xffff, v58;
	s29 =	sshrl.u32 s27, $0x1  }
0x16: {  	s30 =	sand.u32 $0x78, s13;
	s14 =	sand.u32 $0x380, s28;
	[tilespmem:s16+$0x1830 ss:$0x81] =	vst.msk $0xffff, v59;
	s18 =	smul.u32 $0x2800, s29  }
0x17: {  	s14 =	sor.u32 s30, s14;
	[tilespmem:s16+$0x2040 ss:$0x81] =	vst.msk $0xffff, v60  }
0x18: {  	s31 =	sand.u32 $0x7, s13;
	s14 =	sshrl.u32 s14, $0x3;
	[tilespmem:s16+$0x2850 ss:$0x81] =	vst.msk $0xffff, v61;
	s17 =	ssub.s32 s26, s18  }
0x19: {  	s13 =	sshll.u32 s31, $0x12;
	s14 =	sadd.s32 s7, s14;
	[tilespmem:s16+$0x3060 ss:$0x81] =	vst.msk $0xffff, v62;
	s17 =	sshll.u32 s17, $0x7  }
0x1a: {  	s13 =	sor.u32 $0x400, s13;
	[tilespmem:s16+$0x0 ss:$0x81] =	vst.msk $0xffff, v63;
	s14 =	sadd.s32 s17, s14  }
0x1b: {  	[hbm4b:s14+s13] =	stream.strided.scatter [tilespmem:s15], [sflag:$0x2], $0x4000, s9, s13, $0x20;
	[tilespmem:$0x10100] =	vst v63  }
.LBB1_5:
0x1c: {  	s15 =	sadd.s32 $0x200, s10  }
0x1d: {  	s13 =	sadd.s32 $0x400, s11;
	s17 =	smov.u32 s11;
	p2 =	sgt.s32 s15, $0x27FF  }
0x1e: {  	s17 =	smov.u32 @p2 s13  }
0x1f: {  	s15 =	smov.u32 @p2 s3;
	p2 =	sgt.s32 s17, $0x3FF  }
0x20: {  	s17 =	smov.u32 @p2 s2;
	p2 =	sne.s32 s12, s8  }
.Ltmp1:
0x21: {  	p1 =	slt.u32 s12, $0x2;
	(pc) =	sbr.rel @!p2 .LBB1_6-.Ltmp1, $4  }
0x22: {  	s16 =	simm.s32 @!p1 $0x2  }
0x23: {  	s14 =	smov.u32 s10;
	p0 =	por !p0, !p0;
	_ =	swait.ge @!p1 [sflag:s16], $0x4000  }
0x24: {  	s13 =	smov.u32 s11;
	[sflag:s16] =	ssyncset.done @!p1 $0x0;
	s10 =	smov.u32 s15  }
0x25: {  	s12 =	sadd.s32 $0x1, s12;
	[sflag:s16] =	ssyncadd.s32 @!p1 $0xFFFFC000;
	s11 =	smov.u32 s17  }
.LBB1_1:
0x26: {  	p1 =	sge.u32 s12, s5  }
0x27: {  	s15 =	sshrl.u32 @!p1 s11, $0x3  }
0x28: {  	s16 =	sshll.u32 @!p1 s10, $0x3;
	s17 =	sshll.u32 @!p1 s11, $0x7;
	s15 =	smul.u32 @!p1 $0x14000, s15  }
0x29: {  	s18 =	sand.u32 @!p1 $0x7F, s10;
	s16 =	sand.u32 @!p1 $0xFFFFFC00, s16;
	s17 =	sand.u32 @!p1 $0x380, s17  }
0x2a: {  	s15 =	sadd.s32 @!p1 s15, s16;
	s16 =	sor.u32 @!p1 s18, s17  }
0x2b: {  	s16 =	sor.u32 @!p1 s15, s16  }
0x2c: {  	s17 =	smulhi.u32 @!p1 $0xCCCCCCCD, s16;
	_ =	sdelay $0x1  }
0x2d: {  	s15 =	smulhi.u32 @!p1 $0xCCCCCCCD, s15;
	s17 =	sshrl.u32 @!p1 s17, $0xD  }
0x2e: {  	s17 =	smul.u32 @!p1 $0x2800, s17  }
0x2f: {  	s31 =	sadd.s32 $0xFFFFFFFF, s12;
	s18 =	sxor.u32 @!p1 $0xFFFFFFFF, s12;
	s15 =	sshrl.u32 @!p1 s15, $0xD  }
0x30: {  	s18 =	sshll.u32 @!p1 s18, $0xE;
	s15 =	sand.u32 @!p1 $0x3FF, s15;
	s16 =	ssub.s32 @!p1 s16, s17  }
0x31: {  	s15 =	smul.u32 @!p1 $0x500, s15;
	s17 =	sshrl.u32 @!p1 s16, $0x3;
	s16 =	sand.u32 @!p1 $0x7, s16  }
0x32: {  	s18 =	sand.u32 @!p1 $0x4000, s18;
	s17 =	sadd.s32 @!p1 s6, s17;
	s16 =	sshll.u32 @!p1 s16, $0x12  }
0x33: {  	s15 =	sadd.s32 @!p1 s15, s17;
	s16 =	sor.u32 @!p1 $0x400, s16;
	s17 =	simm.s32 @!p1 $0x14000  }
0x34: {  	[tilespmem:s18], [sflag:$0x1] =	stream.strided.gather @!p1 [hbm4b:s15+s16], $0x4000, s17, s16, $0x38;
	[tilespmem:$0x10100] =	vst v63  }
0x35: {  	p1 =	sge.u32 s31, s5  }
.Ltmp2:
0x36: {  	_ = 	snop;
	(pc) =	sbr.rel @p1 .LBB1_5-.Ltmp2, $1  }
0x37: {  	_ =	sdelay $0x3  }
0x38: {  	s15 =	simm.s32 $0x1  }
0x39: {  	_ =	swait.ge [sflag:s4], $0x4000;
	s15 =	simm.s32 @!p0 $0x0  }
0x3a: {  	[sflag:s4] =	ssyncset.done $0x0;
	s16 =	sshll.u32 s15, $0xE  }
0x3b: {  	[sflag:s4] =	ssyncadd.s32 $0xFFFFC000;
	s18 =	sor.u32 $0x40, s16  }
0x3c: {  	s15 =	smul.u32 $0x10200, s15;
	v0 =	vld [tilespmem:s18+$0x30]  }
0x3d: {  	v1 =	vld [tilespmem:s18+$0xFFFFFFD0]  }
0x3e: {  	s15 =	sshrl.u32 s15, $0x2;
	v5 =	vld [tilespmem:s18+$0xFFFFFFE0]  }
0x3f: {  	v6 =	vld [tilespmem:s18+$0xFFFFFFF0];
	s16 =	sor.u32 $0x8000, s15  }
0x40: {  	s31 =	sand.u32 $0x1, s12;
	v4 =	vld [tilespmem:s18+$0x0];
	s17 =	sadd.s32 $0x0, s16  }
0x41: {  	v3 =	vld [tilespmem:s18+$0x10];
	s15 =	smul.u32 $0x10200, s31;
	[tilespmem:s17+$0x3870 ss:$0x81] =	vst.msk $0xffff, v0  }
0x42: {  	v2 =	vld [tilespmem:s18+$0x20];
	[tilespmem:s17+$0x810 ss:$0x81] =	vst.msk $0xffff, v1  }
0x43: {  	s15 =	sshrl.u32 s15, $0x2;
	v0 =	vld [tilespmem:s18+$0xFFFFFFC0];
	[tilespmem:s17+$0x1020 ss:$0x81] =	vst.msk $0xffff, v5;
	s18 =	sadd.s32 $0x80, s18  }
0x44: {  	s19 =	simm.s32 $0x4;
	s20 =	simm.s32 $0x8;
	s15 =	sor.u32 $0x8000, s15;
	[tilespmem:s17+$0x1830 ss:$0x81] =	vst.msk $0xffff, v6;
	v1 =	vld [tilespmem:s18+$0x30]  }
.LBB1_3:
0x45: {  	p1 =	sne.s32 s20, $0x1FC;
	v5 =	vld [tilespmem:s18+$0xFFFFFFD0];
	[tilespmem:s17+$0x2040 ss:$0x81] =	vst.msk $0xffff, v4  }
0x46: {  	v6 =	vld [tilespmem:s18+$0xFFFFFFE0];
	[tilespmem:s17+$0x2850 ss:$0x81] =	vst.msk $0xffff, v3  }
0x47: {  	s21 =	sshra.s32 s19, $0x2;
	s19 =	smov.u32 s20;
	v7 =	vld [tilespmem:s18+$0xFFFFFFF0];
	[tilespmem:s17+$0x3060 ss:$0x81] =	vst.msk $0xffff, v2  }
.Ltmp3:
0x48: {  	v4 =	vld [tilespmem:s18+$0x0];
	[tilespmem:s17+$0x0 ss:$0x81] =	vst.msk $0xffff, v0;
	s17 =	sadd.s32 s21, s16;
	(pc) =	sbr.rel @p1 .LBB1_3-.Ltmp3, $4  }
0x49: {  	v3 =	vld [tilespmem:s18+$0x10];
	[tilespmem:s17+$0x3870 ss:$0x81] =	vst.msk $0xffff, v1  }
0x4a: {  	[tilespmem:s17+$0x810 ss:$0x81] =	vst.msk $0xffff, v5;
	v2 =	vld [tilespmem:s18+$0x20]  }
0x4b: {  	v0 =	vld [tilespmem:s18+$0xFFFFFFC0];
	[tilespmem:s17+$0x1020 ss:$0x81] =	vst.msk $0xffff, v6;
	s18 =	sadd.s32 $0x80, s18  }
0x4c: {  	s20 =	sadd.s32 $0x4, s20;
	v1 =	vld [tilespmem:s18+$0x30];
	[tilespmem:s17+$0x1830 ss:$0x81] =	vst.msk $0xffff, v7  }
.Ltmp4:
0x4d: {  	_ = 	snop;
	(pc) =	sbr.rel .LBB1_4-.Ltmp4, $1  }
0x4e: {  	_ =	sdelay $0x3  }
.LBB1_6:
0x4f: {  	_ =	sfence.sel $0x180000  }
0x50: {  	s2 =	simm.s32 $0x1;
	[bflag:$0x0] =	sbarrier.arrive $0xFFFF  }
0x51: {  	s31 =	simm.s32 $0x2;
	[sflag:s2] =	ssyncpa.u1 $0x1  }
0x52: {  	[sflag:s31] =	ssyncpa.u1 $0x1  }
0x53: {  	p0 =	sne.s32 s0, $0x0;
	_ =	strace $0x9000004A  }
0x54: {  	s0 =	sadd.s32 @!p0 $0x100000, s1;
	[bflag:$0x2] =	sbarrier.arrive $0xFFFF  }
0x55: {  	[sflag:s0] =	ssyncadd.tile.s32 @!p0 $0x1;
	_ =	shalt  }
.Lfunc_end1:
_tile_overlayer_lowered:
.L_overlay_start_2:
0x56: {  	(tag) =	ssettag $0x2  }
0x57: {  	s0 =	rddreg [dreg:$0x0];
	s2 =	stileid.u32  }
0x58: {  	s1 =	rddreg [dreg:$0x1];
	p0 =	sne.s32 s2, $0x0  }
0x59: {  	s3 =	rddreg [dreg:$0x2];
	[bflag:$0x3] =	sbarrier.arrive $0xFFFF;
	s2 =	simm.s32 @!p0 $0x1C01  }
0x5a: {  	[timem:s3], [sflag:s2] =	dma.local @!p0 [hbm:s0], s1  }
0x5b: {  	s0 =	simm.s32 @!p0 $0x1  }
0x5c: {  	_ =	swait.ge @!p0 [sflag:s0], s1  }
0x5d: {  	s1 =	ssub.s32 @!p0 $0x0, s1;
	[sflag:s0] =	ssyncset.done @!p0 $0x0  }
0x5e: {  	[sflag:s0] =	ssyncadd.s32 @!p0 s1  }
0x5f: {  	[bflag:$0x3] =	sbarrier.arrive $0xFFFF  }
0x60: {  	_ =	shalt  }

</sc_bundles>
